<compile_context>
chip_gen: v7x
topology: tpu7x:2x2x1
jax: 0.10.2.dev20260603
libtpu: 0.0.44.dev20260713+nightly
codegen_flags: <defaults>
</compile_context>

<pallas_src>
import functools

import jax
import jax.numpy as jnp
from jax import lax
from jax.experimental import pallas as pl
from jax.experimental.pallas import tpu as pltpu
from jax.experimental.pallas import tpu_sc as plsc

NUM_EXPERTS = 8
TOP_K = 2
HIDDEN = 1024
INTERMEDIATE = 1024
NUM_TOKENS = 2048

NUM_PAIRS = NUM_TOKENS * TOP_K
ROW_TILE = 512
N_TILES = (NUM_PAIRS + NUM_EXPERTS * (ROW_TILE - 1) + ROW_TILE - 1) // ROW_TILE
N_ROWS = N_TILES * ROW_TILE


def _router_body(x_ref, wr_ref, pos_ref, w_ref, te_ref):
    x = x_ref[...]
    logits = jnp.dot(x, wr_ref[...], preferred_element_type=jnp.float32)
    p = jax.nn.softmax(logits, axis=-1)
    e_iota = lax.broadcasted_iota(jnp.int32, logits.shape, 1)
    m1 = jnp.max(logits, axis=-1, keepdims=True)
    i1 = jnp.min(jnp.where(logits == m1, e_iota, NUM_EXPERTS), axis=-1, keepdims=True)
    logits2 = jnp.where(e_iota == i1, -jnp.inf, logits)
    m2 = jnp.max(logits2, axis=-1, keepdims=True)
    i2 = jnp.min(jnp.where(logits2 == m2, e_iota, NUM_EXPERTS), axis=-1, keepdims=True)
    w1 = jnp.sum(jnp.where(e_iota == i1, p, 0.0), axis=-1, keepdims=True)
    w2 = jnp.sum(jnp.where(e_iota == i2, p, 0.0), axis=-1, keepdims=True)
    s = w1 + w2

    oh1 = (e_iota == i1).astype(jnp.float32)
    oh2 = (e_iota == i2).astype(jnp.float32)
    cnt2 = oh1 + oh2
    incl = cnt2
    shift = 1
    while shift < NUM_TOKENS:
        shifted = jnp.concatenate(
            [jnp.zeros((shift, NUM_EXPERTS), jnp.float32), incl[: NUM_TOKENS - shift, :]],
            axis=0,
        )
        incl = incl + shifted
        shift *= 2
    excl = incl - cnt2
    counts = incl[NUM_TOKENS - 1 : NUM_TOKENS, :]
    padcnt = jnp.ceil(counts / ROW_TILE) * ROW_TILE
    ip = padcnt
    sh = 1
    while sh < NUM_EXPERTS:
        ip = ip + jnp.concatenate(
            [jnp.zeros((1, sh), jnp.float32), ip[:, : NUM_EXPERTS - sh]], axis=1
        )
        sh *= 2
    off_pad = ip - padcnt

    rank1 = jnp.sum(jnp.where(e_iota == i1, excl, 0.0), axis=-1, keepdims=True)
    rank2 = jnp.sum(jnp.where(e_iota == i2, excl, 0.0), axis=-1, keepdims=True)
    base1 = jnp.sum(jnp.where(e_iota == i1, off_pad, 0.0), axis=-1, keepdims=True)
    base2 = jnp.sum(jnp.where(e_iota == i2, off_pad, 0.0), axis=-1, keepdims=True)
    pos1 = base1 + rank1
    pos2 = base2 + rank2
    pos_ref[...] = jnp.concatenate([pos1, pos2], axis=1).astype(jnp.int32)
    w_ref[...] = jnp.concatenate([w1 / s, w2 / s], axis=1)

    row0 = lax.broadcasted_iota(jnp.int32, (N_TILES, NUM_EXPERTS), 0).astype(jnp.float32) * ROW_TILE
    started = (jnp.broadcast_to(off_pad, (N_TILES, NUM_EXPERTS)) <= row0).astype(jnp.float32)
    te = jnp.sum(started, axis=-1, keepdims=True).astype(jnp.int32) - 1
    n_act = (ip[:, NUM_EXPERTS - 1 :] / ROW_TILE).astype(jnp.int32)
    te_ref[...] = jnp.concatenate([te, n_act], axis=0)


def _router_sort(x, wr):
    return pl.pallas_call(
        _router_body,
        in_specs=[
            pl.BlockSpec((NUM_TOKENS, HIDDEN), lambda: (0, 0)),
            pl.BlockSpec((HIDDEN, NUM_EXPERTS), lambda: (0, 0)),
        ],
        out_specs=[
            pl.BlockSpec((NUM_TOKENS, TOP_K), lambda: (0, 0)),
            pl.BlockSpec((NUM_TOKENS, TOP_K), lambda: (0, 0)),
            pl.BlockSpec((N_TILES + 1, 1), lambda: (0, 0)),
        ],
        out_shape=[
            jax.ShapeDtypeStruct((NUM_TOKENS, TOP_K), jnp.int32),
            jax.ShapeDtypeStruct((NUM_TOKENS, TOP_K), jnp.float32),
            jax.ShapeDtypeStruct((N_TILES + 1, 1), jnp.int32),
        ],
    )(x, wr)


def _sc_scatter(pos_flat, w_flat):
    mesh = plsc.VectorSubcoreMesh(core_axis_name="c", subcore_axis_name="s")

    @functools.partial(
        pl.kernel,
        mesh=mesh,
        out_type=[
            jax.ShapeDtypeStruct((N_ROWS,), jnp.int32),
            jax.ShapeDtypeStruct((N_ROWS,), jnp.float32),
        ],
        scratch_types=[
            pltpu.VMEM((NUM_PAIRS,), jnp.int32),
            pltpu.VMEM((NUM_PAIRS,), jnp.float32),
            pltpu.VMEM((N_ROWS,), jnp.int32),
            pltpu.VMEM((N_ROWS,), jnp.float32),
        ],
        compiler_params=pltpu.CompilerParams(needs_layout_passes=False),
    )
    def k(pos_hbm, w_hbm, src_hbm, ws_hbm, pos_v, w_v, src_v, ws_v):
        cid = lax.axis_index("c")
        sid = lax.axis_index("s")

        @pl.when((cid == 0) & (sid == 0))
        def _():
            pltpu.sync_copy(pos_hbm, pos_v)
            pltpu.sync_copy(w_hbm, w_v)
            zi = jnp.zeros((16,), jnp.int32)
            zf = jnp.zeros((16,), jnp.float32)

            def zbody(i, _):
                src_v[pl.ds(i * 16, 16)] = zi
                ws_v[pl.ds(i * 16, 16)] = zf
                return 0

            lax.fori_loop(0, N_ROWS // 16, zbody, 0)

            tok0 = lax.shift_right_logical(lax.iota(jnp.int32, 16), 1)

            def sbody(i, tok):
                idx = pos_v[pl.ds(i * 16, 16)]
                plsc.store_scatter(src_v, [idx], tok)
                plsc.store_scatter(ws_v, [idx], w_v[pl.ds(i * 16, 16)])
                return tok + 8

            lax.fori_loop(0, NUM_PAIRS // 16, sbody, tok0)
            pltpu.sync_copy(src_v, src_hbm)
            pltpu.sync_copy(ws_v, ws_hbm)

    return k(pos_flat, w_flat)


def _sc_gather(table, idx, n_out):
    info = plsc.get_sparse_core_info()
    nw = info.num_cores * info.num_subcores
    b_per_w = n_out // nw
    chunk = 32
    n_chunks = b_per_w // chunk
    assert b_per_w % chunk == 0 and n_out % nw == 0
    mesh = plsc.VectorSubcoreMesh(core_axis_name="c", subcore_axis_name="s")

    @functools.partial(
        pl.kernel,
        mesh=mesh,
        out_type=jax.ShapeDtypeStruct((n_out, HIDDEN), jnp.float32),
        scratch_types=[
            pltpu.VMEM((b_per_w,), jnp.int32),
            pltpu.VMEM((chunk, HIDDEN), jnp.float32),
            pltpu.VMEM((chunk, HIDDEN), jnp.float32),
            pltpu.SemaphoreType.DMA,
            pltpu.SemaphoreType.DMA,
            pltpu.SemaphoreType.DMA,
            pltpu.SemaphoreType.DMA,
        ],
    )
    def k(table_hbm, idx_hbm, out_hbm, idx_v, buf0, buf1, g0, g1, w0, w1):
        wid = lax.axis_index("s") * info.num_cores + lax.axis_index("c")
        base = wid * b_per_w
        bufs = (buf0, buf1)
        gsem = (g0, g1)
        wsem = (w0, w1)
        pltpu.sync_copy(idx_hbm.at[pl.ds(base, b_per_w)], idx_v)
        gathers = [None, None]
        writes = [None, None]
        for c in range(n_chunks):
            b = c % 2
            if writes[b] is not None:
                writes[b].wait()
            gathers[b] = pltpu.async_copy(
                table_hbm.at[idx_v.at[pl.ds(c * chunk, chunk)]], bufs[b], gsem[b])
            if c > 0:
                pb = (c - 1) % 2
                gathers[pb].wait()
                writes[pb] = pltpu.async_copy(
                    bufs[pb], out_hbm.at[pl.ds(base + (c - 1) * chunk, chunk)], wsem[pb])
        lb = (n_chunks - 1) % 2
        gathers[lb].wait()
        writes[lb] = pltpu.async_copy(
            bufs[lb], out_hbm.at[pl.ds(base + (n_chunks - 1) * chunk, chunk)], wsem[lb])
        writes[(n_chunks - 2) % 2].wait()
        writes[lb].wait()

    return k(table, idx)


def _grouped_body(te_ref, src_ref, ws_ref, x_ref, wg_ref, wu_ref, wd_ref, y_ref):
    j = pl.program_id(0)

    @pl.when(j < te_ref[N_TILES])
    def _():
        sv = src_ref[...]
        col = lax.broadcasted_iota(jnp.int32, (ROW_TILE, NUM_TOKENS), 1)
        perm = (col == sv).astype(jnp.float32)
        xt = jnp.dot(perm, x_ref[...], preferred_element_type=jnp.float32)
        g = jnp.dot(xt, wg_ref[0], preferred_element_type=jnp.float32)
        u = jnp.dot(xt, wu_ref[0], preferred_element_type=jnp.float32)
        h = (g * jax.nn.sigmoid(g)) * u * ws_ref[...]
        y_ref[...] = jnp.dot(h, wd_ref[0], preferred_element_type=jnp.float32)


def _grouped_mlp(x, src_col, ws_col, tile_expert, W_gate, W_up, W_down):
    grid_spec = pltpu.PrefetchScalarGridSpec(
        num_scalar_prefetch=1,
        grid=(N_TILES,),
        in_specs=[
            pl.BlockSpec((ROW_TILE, 1), lambda j, te: (j, 0)),
            pl.BlockSpec((ROW_TILE, 1), lambda j, te: (j, 0)),
            pl.BlockSpec((NUM_TOKENS, HIDDEN), lambda j, te: (0, 0)),
            pl.BlockSpec((1, HIDDEN, INTERMEDIATE), lambda j, te: (te[j], 0, 0)),
            pl.BlockSpec((1, HIDDEN, INTERMEDIATE), lambda j, te: (te[j], 0, 0)),
            pl.BlockSpec((1, INTERMEDIATE, HIDDEN), lambda j, te: (te[j], 0, 0)),
        ],
        out_specs=pl.BlockSpec((ROW_TILE, HIDDEN), lambda j, te: (j, 0)),
    )
    return pl.pallas_call(
        _grouped_body,
        grid_spec=grid_spec,
        out_shape=jax.ShapeDtypeStruct((N_ROWS, HIDDEN), jnp.float32),
        compiler_params=pltpu.CompilerParams(
            vmem_limit_bytes=100 * 1024 * 1024,
        ),
    )(tile_expert, src_col, ws_col, x, W_gate, W_up, W_down)


def _pair_sum_body(yp_ref, out_ref):
    blk = yp_ref[...]
    n = blk.shape[0]
    row = lax.broadcasted_iota(jnp.int32, (n // 2, n), 0)
    col = lax.broadcasted_iota(jnp.int32, (n // 2, n), 1)
    s = (lax.shift_right_logical(col, 1) == row).astype(jnp.float32)
    out_ref[...] = jnp.dot(s, blk, preferred_element_type=jnp.float32)


def _pair_sum(yp):
    tile = 512
    return pl.pallas_call(
        _pair_sum_body,
        grid=(NUM_TOKENS // tile,),
        in_specs=[pl.BlockSpec((2 * tile, HIDDEN), lambda t: (t, 0))],
        out_specs=pl.BlockSpec((tile, HIDDEN), lambda t: (t, 0)),
        out_shape=jax.ShapeDtypeStruct((NUM_TOKENS, HIDDEN), jnp.float32),
    )(yp)


def kernel(hidden_states, W_router, W_gate, W_up, W_down):
    pos_pairs, w_pairs, tile_expert = _router_sort(hidden_states, W_router)
    pos_flat = pos_pairs.reshape(NUM_PAIRS)
    src, ws = _sc_scatter(pos_flat, w_pairs.reshape(NUM_PAIRS))
    ys = _grouped_mlp(hidden_states, src.reshape(N_ROWS, 1), ws.reshape(N_ROWS, 1),
                      tile_expert.reshape(N_TILES + 1), W_gate, W_up, W_down)
    yp = _sc_gather(ys, pos_flat, NUM_PAIRS)
    return _pair_sum(yp)

# --- scband reference (transcript-rebuilt; emitter-appended) ---
"""Pipeline reference for scband-qwen3-moe-sparse-moe-block-46909632807484 (READ-ONLY COPY).

The authoritative reference and input builder live on the scoring server;
editing this copy changes nothing except your own understanding.
"""

import jax, jax.numpy as jnp
import numpy as np

NUM_EXPERTS = 8
TOP_K = 2
HIDDEN = 1024
INTERMEDIATE = 1024
NUM_TOKENS = 2048


def setup_inputs(seed: int = 0) -> dict:
    key = jax.random.key(seed)
    ks = jax.random.split(key, 5)
    hidden_states = jax.random.normal(ks[0], (NUM_TOKENS, HIDDEN), dtype=jnp.float32)
    W_router = jax.random.normal(ks[1], (HIDDEN, NUM_EXPERTS), dtype=jnp.float32) * 0.02
    W_gate = jax.random.normal(ks[2], (NUM_EXPERTS, HIDDEN, INTERMEDIATE), dtype=jnp.float32) * 0.02
    W_up = jax.random.normal(ks[3], (NUM_EXPERTS, HIDDEN, INTERMEDIATE), dtype=jnp.float32) * 0.02
    W_down = jax.random.normal(ks[4], (NUM_EXPERTS, INTERMEDIATE, HIDDEN), dtype=jnp.float32) * 0.02
    return {
        "hidden_states": hidden_states,
        "W_router": W_router,
        "W_gate": W_gate,
        "W_up": W_up,
        "W_down": W_down,
    }


def reference(hidden_states, W_router, W_gate, W_up, W_down):
    # Router: replicated linear -> softmax -> top-k -> renormalize (norm_topk_prob=True)
    num_tokens = hidden_states.shape[0]
    num_experts = W_router.shape[1]
    router_logits = hidden_states @ W_router
    routing_probs = jax.nn.softmax(router_logits.astype(jnp.float32), axis=-1)
    top_w, top_i = jax.lax.top_k(routing_probs, TOP_K)
    top_w = top_w / jnp.sum(top_w, axis=-1, keepdims=True)
    # Dense [tokens, experts] routing-weight matrix via scatter-add
    token_ids = jnp.arange(num_tokens)[:, None]
    weights = jnp.zeros((num_tokens, num_experts), dtype=hidden_states.dtype).at[token_ids, top_i].add(top_w.astype(hidden_states.dtype))
    # Fused MoE experts: SwiGLU per expert, combined with routing weights
    out = jnp.zeros_like(hidden_states)
    for e in range(num_experts):
        g = jax.nn.silu(hidden_states @ W_gate[e])
        u = hidden_states @ W_up[e]
        expert_out = (g * u) @ W_down[e]
        out = out + weights[:, e:e + 1] * expert_out
    return out

if __name__ == "__main__":
    import jax
    _d = setup_inputs()
    print(jax.jit(kernel)(*tuple(_d.values())))

</pallas_src>

<mosaic_0001>
#map = affine_map<(d0, d1) -> (0, 0)>
#map1 = affine_map<(d0, d1) -> (0)>
module attributes {stable_mosaic.version = 14 : i64} {
  func.func @k(%arg0: i32, %arg1: i32, %arg2: memref<8192x1024xf32, #tpu.memory_space<hbm>>, %arg3: memref<4096xi32, #tpu.memory_space<hbm>>, %arg4: memref<4096x1024xf32, #tpu.memory_space<hbm>>, %arg5: memref<128xi32, #tpu.memory_space<vmem>>, %arg6: memref<32x1024xf32, #tpu.memory_space<vmem>>, %arg7: memref<32x1024xf32, #tpu.memory_space<vmem>>, %arg8: memref<!tpu.dma_semaphore, #tpu.memory_space<semaphore_mem>>, %arg9: memref<!tpu.dma_semaphore, #tpu.memory_space<semaphore_mem>>, %arg10: memref<!tpu.dma_semaphore, #tpu.memory_space<semaphore_mem>>, %arg11: memref<!tpu.dma_semaphore, #tpu.memory_space<semaphore_mem>>) attributes {dimension_semantics = [#tpu.dimension_semantics<core_parallel>, #tpu.dimension_semantics<subcore_parallel>], iteration_bounds = array<i64: 2, 16>, scalar_prefetch = 0 : i64, scratch_operands = 7 : i64, tpu.core_type = #tpu.core_type<sc_vector_subcore>, window_params = [{transform_indices = #map}, {transform_indices = #map1}, {transform_indices = #map}]} {
    %mul3A = arith.constant 2 : i32
    %mul3A_0 = arith.muli %arg1, %mul3A : i32
    %add3A = arith.addi %mul3A_0, %arg0 : i32
    %mul3A_1 = arith.constant 128 : i32
    %mul3A_2 = arith.muli %add3A, %mul3A_1 : i32
    "tpu.region"() ({
      %run_scoped3A = tpu.sem_alloc : memref<!tpu.dma_semaphore, #tpu.memory_space<semaphore_mem>>
      %dma_start3A_81 = tpu.memref_slice %arg3[%mul3A_2] : memref<4096xi32, #tpu.memory_space<hbm>> -> memref<128xi32, #tpu.memory_space<hbm>>
      %dma_start3A_82 = tpu.memref_slice %arg3[%mul3A_2] : memref<4096xi32, #tpu.memory_space<hbm>> -> memref<128xi32, #tpu.memory_space<hbm>>
      tpu.enqueue_dma source(%dma_start3A_82 : memref<128xi32, #tpu.memory_space<hbm>>) target(%arg5 : memref<128xi32, #tpu.memory_space<vmem>>) target_semaphore(%run_scoped3A : memref<!tpu.dma_semaphore, #tpu.memory_space<semaphore_mem>>)
      %dma_wait3A_83 = tpu.memref_slice %arg3[%mul3A_2] : memref<4096xi32, #tpu.memory_space<hbm>> -> memref<128xi32, #tpu.memory_space<hbm>>
      %dma_wait3A_84 = tpu.memref_slice %arg3[%mul3A_2] : memref<4096xi32, #tpu.memory_space<hbm>> -> memref<128xi32, #tpu.memory_space<hbm>>
      tpu.wait_dma2 semaphore(%run_scoped3A : memref<!tpu.dma_semaphore, #tpu.memory_space<semaphore_mem>>) src(%dma_wait3A_84 : memref<128xi32, #tpu.memory_space<hbm>>) dst(%arg5 : memref<128xi32, #tpu.memory_space<vmem>>)
      tpu.yield
    }) : () -> ()
    %dma_start3A = arith.constant 0 : i32
    %dma_start3A_3 = tpu.memref_slice %arg5[%dma_start3A] : memref<128xi32, #tpu.memory_space<vmem>> -> memref<32xi32, #tpu.memory_space<vmem>>
    %dma_start3A_4 = arith.constant 0 : i32
    %dma_start3A_5 = arith.constant 0 : i32
    %dma_start3A_6 = tpu.memref_slice %arg2[%dma_start3A_4, %dma_start3A_5] : memref<8192x1024xf32, #tpu.memory_space<hbm>> -> memref<8192x1024xf32, #tpu.memory_space<hbm>>
    tpu.enqueue_indirect_dma source(%dma_start3A_6 : memref<8192x1024xf32, #tpu.memory_space<hbm>>) target(%arg6 : memref<32x1024xf32, #tpu.memory_space<vmem>>) offsets(%dma_start3A_3 : memref<32xi32, #tpu.memory_space<vmem>>) semaphore(%arg8 : memref<!tpu.dma_semaphore, #tpu.memory_space<semaphore_mem>>)
    %dma_start3A_7 = arith.constant 32 : i32
    %dma_start3A_8 = tpu.memref_slice %arg5[%dma_start3A_7] : memref<128xi32, #tpu.memory_space<vmem>> -> memref<32xi32, #tpu.memory_space<vmem>>
    %dma_start3A_9 = arith.constant 0 : i32
    %dma_start3A_10 = arith.constant 0 : i32
    %dma_start3A_11 = tpu.memref_slice %arg2[%dma_start3A_9, %dma_start3A_10] : memref<8192x1024xf32, #tpu.memory_space<hbm>> -> memref<8192x1024xf32, #tpu.memory_space<hbm>>
    tpu.enqueue_indirect_dma source(%dma_start3A_11 : memref<8192x1024xf32, #tpu.memory_space<hbm>>) target(%arg7 : memref<32x1024xf32, #tpu.memory_space<vmem>>) offsets(%dma_start3A_8 : memref<32xi32, #tpu.memory_space<vmem>>) semaphore(%arg9 : memref<!tpu.dma_semaphore, #tpu.memory_space<semaphore_mem>>)
    %dma_wait3A = arith.constant 0 : i32
    %dma_wait3A_12 = tpu.memref_slice %arg5[%dma_wait3A] : memref<128xi32, #tpu.memory_space<vmem>> -> memref<32xi32, #tpu.memory_space<vmem>>
    %dma_wait3A_13 = arith.constant 0 : i32
    %dma_wait3A_14 = arith.constant 0 : i32
    %dma_wait3A_15 = tpu.memref_slice %arg2[%dma_wait3A_13, %dma_wait3A_14] : memref<8192x1024xf32, #tpu.memory_space<hbm>> -> memref<8192x1024xf32, #tpu.memory_space<hbm>>
    tpu.wait_indirect_dma semaphore(%arg8 : memref<!tpu.dma_semaphore, #tpu.memory_space<semaphore_mem>>) src(%dma_wait3A_15 : memref<8192x1024xf32, #tpu.memory_space<hbm>>) dst(%arg6 : memref<32x1024xf32, #tpu.memory_space<vmem>>)
    %add3A_16 = arith.constant 0 : i32
    %add3A_17 = arith.addi %mul3A_2, %add3A_16 : i32
    %dma_start3A_18 = arith.constant 0 : i32
    %dma_start3A_19 = tpu.memref_slice %arg4[%add3A_17, %dma_start3A_18] : memref<4096x1024xf32, #tpu.memory_space<hbm>> -> memref<32x1024xf32, #tpu.memory_space<hbm>>
    %dma_start3A_20 = arith.constant 0 : i32
    %dma_start3A_21 = tpu.memref_slice %arg4[%add3A_17, %dma_start3A_20] : memref<4096x1024xf32, #tpu.memory_space<hbm>> -> memref<32x1024xf32, #tpu.memory_space<hbm>>
    tpu.enqueue_dma source(%arg6 : memref<32x1024xf32, #tpu.memory_space<vmem>>) target(%dma_start3A_21 : memref<32x1024xf32, #tpu.memory_space<hbm>>) target_semaphore(%arg10 : memref<!tpu.dma_semaphore, #tpu.memory_space<semaphore_mem>>)
    %dma_wait3A_22 = arith.constant 0 : i32
    %dma_wait3A_23 = tpu.memref_slice %arg4[%add3A_17, %dma_wait3A_22] : memref<4096x1024xf32, #tpu.memory_space<hbm>> -> memref<32x1024xf32, #tpu.memory_space<hbm>>
    %dma_wait3A_24 = arith.constant 0 : i32
    %dma_wait3A_25 = tpu.memref_slice %arg4[%add3A_17, %dma_wait3A_24] : memref<4096x1024xf32, #tpu.memory_space<hbm>> -> memref<32x1024xf32, #tpu.memory_space<hbm>>
    tpu.wait_dma2 semaphore(%arg10 : memref<!tpu.dma_semaphore, #tpu.memory_space<semaphore_mem>>) src(%arg6 : memref<32x1024xf32, #tpu.memory_space<vmem>>) dst(%dma_wait3A_25 : memref<32x1024xf32, #tpu.memory_space<hbm>>)
    %dma_start3A_26 = arith.constant 64 : i32
    %dma_start3A_27 = tpu.memref_slice %arg5[%dma_start3A_26] : memref<128xi32, #tpu.memory_space<vmem>> -> memref<32xi32, #tpu.memory_space<vmem>>
    %dma_start3A_28 = arith.constant 0 : i32
    %dma_start3A_29 = arith.constant 0 : i32
    %dma_start3A_30 = tpu.memref_slice %arg2[%dma_start3A_28, %dma_start3A_29] : memref<8192x1024xf32, #tpu.memory_space<hbm>> -> memref<8192x1024xf32, #tpu.memory_space<hbm>>
    tpu.enqueue_indirect_dma source(%dma_start3A_30 : memref<8192x1024xf32, #tpu.memory_space<hbm>>) target(%arg6 : memref<32x1024xf32, #tpu.memory_space<vmem>>) offsets(%dma_start3A_27 : memref<32xi32, #tpu.memory_space<vmem>>) semaphore(%arg8 : memref<!tpu.dma_semaphore, #tpu.memory_space<semaphore_mem>>)
    %dma_wait3A_31 = arith.constant 32 : i32
    %dma_wait3A_32 = tpu.memref_slice %arg5[%dma_wait3A_31] : memref<128xi32, #tpu.memory_space<vmem>> -> memref<32xi32, #tpu.memory_space<vmem>>
    %dma_wait3A_33 = arith.constant 0 : i32
    %dma_wait3A_34 = arith.constant 0 : i32
    %dma_wait3A_35 = tpu.memref_slice %arg2[%dma_wait3A_33, %dma_wait3A_34] : memref<8192x1024xf32, #tpu.memory_space<hbm>> -> memref<8192x1024xf32, #tpu.memory_space<hbm>>
    tpu.wait_indirect_dma semaphore(%arg9 : memref<!tpu.dma_semaphore, #tpu.memory_space<semaphore_mem>>) src(%dma_wait3A_35 : memref<8192x1024xf32, #tpu.memory_space<hbm>>) dst(%arg7 : memref<32x1024xf32, #tpu.memory_space<vmem>>)
    %add3A_36 = arith.constant 32 : i32
    %add3A_37 = arith.addi %mul3A_2, %add3A_36 : i32
    %dma_start3A_38 = arith.constant 0 : i32
    %dma_start3A_39 = tpu.memref_slice %arg4[%add3A_37, %dma_start3A_38] : memref<4096x1024xf32, #tpu.memory_space<hbm>> -> memref<32x1024xf32, #tpu.memory_space<hbm>>
    %dma_start3A_40 = arith.constant 0 : i32
    %dma_start3A_41 = tpu.memref_slice %arg4[%add3A_37, %dma_start3A_40] : memref<4096x1024xf32, #tpu.memory_space<hbm>> -> memref<32x1024xf32, #tpu.memory_space<hbm>>
    tpu.enqueue_dma source(%arg7 : memref<32x1024xf32, #tpu.memory_space<vmem>>) target(%dma_start3A_41 : memref<32x1024xf32, #tpu.memory_space<hbm>>) target_semaphore(%arg11 : memref<!tpu.dma_semaphore, #tpu.memory_space<semaphore_mem>>)
    %dma_wait3A_42 = arith.constant 0 : i32
    %dma_wait3A_43 = tpu.memref_slice %arg4[%add3A_37, %dma_wait3A_42] : memref<4096x1024xf32, #tpu.memory_space<hbm>> -> memref<32x1024xf32, #tpu.memory_space<hbm>>
    %dma_wait3A_44 = arith.constant 0 : i32
    %dma_wait3A_45 = tpu.memref_slice %arg4[%add3A_37, %dma_wait3A_44] : memref<4096x1024xf32, #tpu.memory_space<hbm>> -> memref<32x1024xf32, #tpu.memory_space<hbm>>
    tpu.wait_dma2 semaphore(%arg11 : memref<!tpu.dma_semaphore, #tpu.memory_space<semaphore_mem>>) src(%arg7 : memref<32x1024xf32, #tpu.memory_space<vmem>>) dst(%dma_wait3A_45 : memref<32x1024xf32, #tpu.memory_space<hbm>>)
    %dma_start3A_46 = arith.constant 96 : i32
    %dma_start3A_47 = tpu.memref_slice %arg5[%dma_start3A_46] : memref<128xi32, #tpu.memory_space<vmem>> -> memref<32xi32, #tpu.memory_space<vmem>>
    %dma_start3A_48 = arith.constant 0 : i32
    %dma_start3A_49 = arith.constant 0 : i32
    %dma_start3A_50 = tpu.memref_slice %arg2[%dma_start3A_48, %dma_start3A_49] : memref<8192x1024xf32, #tpu.memory_space<hbm>> -> memref<8192x1024xf32, #tpu.memory_space<hbm>>
    tpu.enqueue_indirect_dma source(%dma_start3A_50 : memref<8192x1024xf32, #tpu.memory_space<hbm>>) target(%arg7 : memref<32x1024xf32, #tpu.memory_space<vmem>>) offsets(%dma_start3A_47 : memref<32xi32, #tpu.memory_space<vmem>>) semaphore(%arg9 : memref<!tpu.dma_semaphore, #tpu.memory_space<semaphore_mem>>)
    %dma_wait3A_51 = arith.constant 64 : i32
    %dma_wait3A_52 = tpu.memref_slice %arg5[%dma_wait3A_51] : memref<128xi32, #tpu.memory_space<vmem>> -> memref<32xi32, #tpu.memory_space<vmem>>
    %dma_wait3A_53 = arith.constant 0 : i32
    %dma_wait3A_54 = arith.constant 0 : i32
    %dma_wait3A_55 = tpu.memref_slice %arg2[%dma_wait3A_53, %dma_wait3A_54] : memref<8192x1024xf32, #tpu.memory_space<hbm>> -> memref<8192x1024xf32, #tpu.memory_space<hbm>>
    tpu.wait_indirect_dma semaphore(%arg8 : memref<!tpu.dma_semaphore, #tpu.memory_space<semaphore_mem>>) src(%dma_wait3A_55 : memref<8192x1024xf32, #tpu.memory_space<hbm>>) dst(%arg6 : memref<32x1024xf32, #tpu.memory_space<vmem>>)
    %add3A_56 = arith.constant 64 : i32
    %add3A_57 = arith.addi %mul3A_2, %add3A_56 : i32
    %dma_start3A_58 = arith.constant 0 : i32
    %dma_start3A_59 = tpu.memref_slice %arg4[%add3A_57, %dma_start3A_58] : memref<4096x1024xf32, #tpu.memory_space<hbm>> -> memref<32x1024xf32, #tpu.memory_space<hbm>>
    %dma_start3A_60 = arith.constant 0 : i32
    %dma_start3A_61 = tpu.memref_slice %arg4[%add3A_57, %dma_start3A_60] : memref<4096x1024xf32, #tpu.memory_space<hbm>> -> memref<32x1024xf32, #tpu.memory_space<hbm>>
    tpu.enqueue_dma source(%arg6 : memref<32x1024xf32, #tpu.memory_space<vmem>>) target(%dma_start3A_61 : memref<32x1024xf32, #tpu.memory_space<hbm>>) target_semaphore(%arg10 : memref<!tpu.dma_semaphore, #tpu.memory_space<semaphore_mem>>)
    %dma_wait3A_62 = arith.constant 96 : i32
    %dma_wait3A_63 = tpu.memref_slice %arg5[%dma_wait3A_62] : memref<128xi32, #tpu.memory_space<vmem>> -> memref<32xi32, #tpu.memory_space<vmem>>
    %dma_wait3A_64 = arith.constant 0 : i32
    %dma_wait3A_65 = arith.constant 0 : i32
    %dma_wait3A_66 = tpu.memref_slice %arg2[%dma_wait3A_64, %dma_wait3A_65] : memref<8192x1024xf32, #tpu.memory_space<hbm>> -> memref<8192x1024xf32, #tpu.memory_space<hbm>>
    tpu.wait_indirect_dma semaphore(%arg9 : memref<!tpu.dma_semaphore, #tpu.memory_space<semaphore_mem>>) src(%dma_wait3A_66 : memref<8192x1024xf32, #tpu.memory_space<hbm>>) dst(%arg7 : memref<32x1024xf32, #tpu.memory_space<vmem>>)
    %add3A_67 = arith.constant 96 : i32
    %add3A_68 = arith.addi %mul3A_2, %add3A_67 : i32
    %dma_start3A_69 = arith.constant 0 : i32
    %dma_start3A_70 = tpu.memref_slice %arg4[%add3A_68, %dma_start3A_69] : memref<4096x1024xf32, #tpu.memory_space<hbm>> -> memref<32x1024xf32, #tpu.memory_space<hbm>>
    %dma_start3A_71 = arith.constant 0 : i32
    %dma_start3A_72 = tpu.memref_slice %arg4[%add3A_68, %dma_start3A_71] : memref<4096x1024xf32, #tpu.memory_space<hbm>> -> memref<32x1024xf32, #tpu.memory_space<hbm>>
    tpu.enqueue_dma source(%arg7 : memref<32x1024xf32, #tpu.memory_space<vmem>>) target(%dma_start3A_72 : memref<32x1024xf32, #tpu.memory_space<hbm>>) target_semaphore(%arg11 : memref<!tpu.dma_semaphore, #tpu.memory_space<semaphore_mem>>)
    %dma_wait3A_73 = arith.constant 0 : i32
    %dma_wait3A_74 = tpu.memref_slice %arg4[%add3A_57, %dma_wait3A_73] : memref<4096x1024xf32, #tpu.memory_space<hbm>> -> memref<32x1024xf32, #tpu.memory_space<hbm>>
    %dma_wait3A_75 = arith.constant 0 : i32
    %dma_wait3A_76 = tpu.memref_slice %arg4[%add3A_57, %dma_wait3A_75] : memref<4096x1024xf32, #tpu.memory_space<hbm>> -> memref<32x1024xf32, #tpu.memory_space<hbm>>
    tpu.wait_dma2 semaphore(%arg10 : memref<!tpu.dma_semaphore, #tpu.memory_space<semaphore_mem>>) src(%arg6 : memref<32x1024xf32, #tpu.memory_space<vmem>>) dst(%dma_wait3A_76 : memref<32x1024xf32, #tpu.memory_space<hbm>>)
    %dma_wait3A_77 = arith.constant 0 : i32
    %dma_wait3A_78 = tpu.memref_slice %arg4[%add3A_68, %dma_wait3A_77] : memref<4096x1024xf32, #tpu.memory_space<hbm>> -> memref<32x1024xf32, #tpu.memory_space<hbm>>
    %dma_wait3A_79 = arith.constant 0 : i32
    %dma_wait3A_80 = tpu.memref_slice %arg4[%add3A_68, %dma_wait3A_79] : memref<4096x1024xf32, #tpu.memory_space<hbm>> -> memref<32x1024xf32, #tpu.memory_space<hbm>>
    tpu.wait_dma2 semaphore(%arg11 : memref<!tpu.dma_semaphore, #tpu.memory_space<semaphore_mem>>) src(%arg7 : memref<32x1024xf32, #tpu.memory_space<vmem>>) dst(%dma_wait3A_80 : memref<32x1024xf32, #tpu.memory_space<hbm>>)
    return
  }
}

#map = affine_map<(d0, d1) -> (0)>
module attributes {stable_mosaic.version = 14 : i64} {
  func.func @k(%arg0: i32, %arg1: i32, %arg2: memref<4096xi32, #tpu.memory_space<hbm>>, %arg3: memref<4096xf32, #tpu.memory_space<hbm>>, %arg4: memref<8192xi32, #tpu.memory_space<hbm>>, %arg5: memref<8192xf32, #tpu.memory_space<hbm>>, %arg6: memref<4096xi32, #tpu.memory_space<vmem>>, %arg7: memref<4096xf32, #tpu.memory_space<vmem>>, %arg8: memref<8192xi32, #tpu.memory_space<vmem>>, %arg9: memref<8192xf32, #tpu.memory_space<vmem>>) attributes {dimension_semantics = [#tpu.dimension_semantics<core_parallel>, #tpu.dimension_semantics<subcore_parallel>], iteration_bounds = array<i64: 2, 16>, scalar_prefetch = 0 : i64, scratch_operands = 4 : i64, tpu.core_type = #tpu.core_type<sc_vector_subcore>, window_params = [{transform_indices = #map}, {transform_indices = #map}, {transform_indices = #map}, {transform_indices = #map}]} {
    %eq3A = arith.constant 0 : i32
    %eq3A_0 = arith.cmpi eq, %arg0, %eq3A : i32
    %eq3A_1 = arith.constant 0 : i32
    %eq3A_2 = arith.cmpi eq, %arg1, %eq3A_1 : i32
    %and3A = arith.andi %eq3A_0, %eq3A_2 : i1
    %convert_element_type3A = arith.extui %and3A : i1 to i32
    %cond3A = arith.constant 0 : i32
    %cond3A_3 = arith.cmpi ne, %convert_element_type3A, %cond3A : i32
    scf.if %cond3A_3 {
      "tpu.region"() ({
        %run_scoped3A = tpu.sem_alloc : memref<!tpu.dma_semaphore, #tpu.memory_space<semaphore_mem>>
        tpu.enqueue_dma source(%arg2 : memref<4096xi32, #tpu.memory_space<hbm>>) target(%arg6 : memref<4096xi32, #tpu.memory_space<vmem>>) target_semaphore(%run_scoped3A : memref<!tpu.dma_semaphore, #tpu.memory_space<semaphore_mem>>)
        tpu.wait_dma2 semaphore(%run_scoped3A : memref<!tpu.dma_semaphore, #tpu.memory_space<semaphore_mem>>) src(%arg2 : memref<4096xi32, #tpu.memory_space<hbm>>) dst(%arg6 : memref<4096xi32, #tpu.memory_space<vmem>>)
        tpu.yield
      }) : () -> ()
      "tpu.region"() ({
        %run_scoped3A = tpu.sem_alloc : memref<!tpu.dma_semaphore, #tpu.memory_space<semaphore_mem>>
        tpu.enqueue_dma source(%arg3 : memref<4096xf32, #tpu.memory_space<hbm>>) target(%arg7 : memref<4096xf32, #tpu.memory_space<vmem>>) target_semaphore(%run_scoped3A : memref<!tpu.dma_semaphore, #tpu.memory_space<semaphore_mem>>)
        tpu.wait_dma2 semaphore(%run_scoped3A : memref<!tpu.dma_semaphore, #tpu.memory_space<semaphore_mem>>) src(%arg3 : memref<4096xf32, #tpu.memory_space<hbm>>) dst(%arg7 : memref<4096xf32, #tpu.memory_space<vmem>>)
        tpu.yield
      }) : () -> ()
      %broadcast_in_dim3A = arith.constant 0 : i32
      %broadcast_in_dim3A_4 = vector.broadcast %broadcast_in_dim3A : i32 to vector<16xi32>
      %broadcast_in_dim3A_5 = arith.constant 0.000000e+00 : f32
      %broadcast_in_dim3A_6 = vector.broadcast %broadcast_in_dim3A_5 : f32 to vector<16xf32>
      %scan3A = arith.constant 0 : i32
      %scan3A_7 = arith.constant 0 : i32
      %scan3A_8 = arith.constant 512 : i32
      %scan3A_9 = arith.addi %scan3A_7, %scan3A_8 : i32
      %scan3A_10 = arith.constant 1 : i32
      %scan3A_11 = scf.for %scan3A_21 = %scan3A_7 to %scan3A_9 step %scan3A_10 iter_args(%scan3A_22 = %scan3A) -> (i32)  : i32 {
        %mul3A = arith.constant 16 : i32
        %mul3A_23 = arith.muli %scan3A_21, %mul3A : i32
        %swap3A = arith.index_cast %mul3A_23 : i32 to index
        %swap3A_24 = tpu.vector_load %arg8[%swap3A] {strides = array<i32>} : memref<8192xi32, #tpu.memory_space<vmem>>, vector<16xi32>,
        tpu.vector_store %arg8[%swap3A], %broadcast_in_dim3A_4 {strides = array<i32>} : memref<8192xi32, #tpu.memory_space<vmem>>, vector<16xi32>,
        %mul3A_25 = arith.constant 16 : i32
        %mul3A_26 = arith.muli %scan3A_21, %mul3A_25 : i32
        %swap3A_27 = arith.index_cast %mul3A_26 : i32 to index
        %swap3A_28 = tpu.vector_load %arg9[%swap3A_27] {strides = array<i32>} : memref<8192xf32, #tpu.memory_space<vmem>>, vector<16xf32>,
        tpu.vector_store %arg9[%swap3A_27], %broadcast_in_dim3A_6 {strides = array<i32>} : memref<8192xf32, #tpu.memory_space<vmem>>, vector<16xf32>,
        %scan3A_29 = arith.constant 0 : i32
        scf.yield %scan3A_29 : i32
      }
      %scan3A_12 = arith.constant 512 : i32
      %iota3A = tpu.iota {dimensions = array<i32: 0>} : vector<16xi32>
      %shift_right_logical3A = arith.constant 1 : i32
      %shift_right_logical3A_13 = vector.broadcast %shift_right_logical3A : i32 to vector<16xi32>
      %shift_right_logical3A_14 = arith.shrui %iota3A, %shift_right_logical3A_13 : vector<16xi32>
      %scan3A_15 = arith.constant 0 : i32
      %scan3A_16 = arith.constant 256 : i32
      %scan3A_17 = arith.addi %scan3A_15, %scan3A_16 : i32
      %scan3A_18 = arith.constant 1 : i32
      %scan3A_19 = scf.for %scan3A_21 = %scan3A_15 to %scan3A_17 step %scan3A_18 iter_args(%scan3A_22 = %shift_right_logical3A_14) -> (vector<16xi32>)  : i32 {
        %mul3A = arith.constant 16 : i32
        %mul3A_23 = arith.muli %scan3A_21, %mul3A : i32
        %get3A = arith.index_cast %mul3A_23 : i32 to index
        %get3A_24 = tpu.vector_load %arg6[%get3A] {strides = array<i32>} : memref<4096xi32, #tpu.memory_space<vmem>>, vector<16xi32>,
        tpu.vector_store_idx %arg8[%get3A_24], %scan3A_22 : memref<8192xi32, #tpu.memory_space<vmem>>[vector<16xi32>], vector<16xi32>,
        %mul3A_25 = arith.constant 16 : i32
        %mul3A_26 = arith.muli %scan3A_21, %mul3A_25 : i32
        %get3A_27 = arith.index_cast %mul3A_26 : i32 to index
        %get3A_28 = tpu.vector_load %arg7[%get3A_27] {strides = array<i32>} : memref<4096xf32, #tpu.memory_space<vmem>>, vector<16xf32>,
        tpu.vector_store_idx %arg9[%get3A_24], %get3A_28 : memref<8192xf32, #tpu.memory_space<vmem>>[vector<16xi32>], vector<16xf32>,
        %add3A = arith.constant 8 : i32
        %add3A_29 = vector.broadcast %add3A : i32 to vector<16xi32>
        %add3A_30 = arith.addi %scan3A_22, %add3A_29 : vector<16xi32>
        scf.yield %add3A_30 : vector<16xi32>
      }
      %scan3A_20 = arith.constant 256 : i32
      "tpu.region"() ({
        %run_scoped3A = tpu.sem_alloc : memref<!tpu.dma_semaphore, #tpu.memory_space<semaphore_mem>>
        tpu.enqueue_dma source(%arg8 : memref<8192xi32, #tpu.memory_space<vmem>>) target(%arg4 : memref<8192xi32, #tpu.memory_space<hbm>>) target_semaphore(%run_scoped3A : memref<!tpu.dma_semaphore, #tpu.memory_space<semaphore_mem>>)
        tpu.wait_dma2 semaphore(%run_scoped3A : memref<!tpu.dma_semaphore, #tpu.memory_space<semaphore_mem>>) src(%arg8 : memref<8192xi32, #tpu.memory_space<vmem>>) dst(%arg4 : memref<8192xi32, #tpu.memory_space<hbm>>)
        tpu.yield
      }) : () -> ()
      "tpu.region"() ({
        %run_scoped3A = tpu.sem_alloc : memref<!tpu.dma_semaphore, #tpu.memory_space<semaphore_mem>>
        tpu.enqueue_dma source(%arg9 : memref<8192xf32, #tpu.memory_space<vmem>>) target(%arg5 : memref<8192xf32, #tpu.memory_space<hbm>>) target_semaphore(%run_scoped3A : memref<!tpu.dma_semaphore, #tpu.memory_space<semaphore_mem>>)
        tpu.wait_dma2 semaphore(%run_scoped3A : memref<!tpu.dma_semaphore, #tpu.memory_space<semaphore_mem>>) src(%arg9 : memref<8192xf32, #tpu.memory_space<vmem>>) dst(%arg5 : memref<8192xf32, #tpu.memory_space<hbm>>)
        tpu.yield
      }) : () -> ()
    } else {
    }
    return
  }
}

module attributes {stable_mosaic.version = 14 : i64} {
  func.func @_router_body(%arg0: memref<2048x1024xf32, #tpu.memory_space<vmem>>, %arg1: memref<1024x8xf32, #tpu.memory_space<vmem>>, %arg2: memref<2048x2xi32, #tpu.memory_space<vmem>>, %arg3: memref<2048x2xf32, #tpu.memory_space<vmem>>, %arg4: memref<17x1xi32, #tpu.memory_space<vmem>>) attributes {dimension_semantics = [], scalar_prefetch = 0 : i64, scratch_operands = 0 : i64, tpu.core_type = #tpu.core_type<tc>} {
    %get3A = arith.constant 0 : index
    %get3A_0 = arith.constant 0 : index
    %get3A_1 = vector.load %arg0[%get3A, %get3A_0] : memref<2048x1024xf32, #tpu.memory_space<vmem>>, vector<2048x1024xf32>
    %get3A_2 = arith.constant 0 : index
    %get3A_3 = arith.constant 0 : index
    %get3A_4 = vector.load %arg1[%get3A_2, %get3A_3] : memref<1024x8xf32, #tpu.memory_space<vmem>>, vector<1024x8xf32>
    %dot_general3A = arith.constant dense<0.000000e+00> : vector<2048x8xf32>
    %dot_general3A_5 = tpu.matmul %get3A_1, %get3A_4, %dot_general3A {dimension_numbers = #tpu.dot_dimension_numbers<[1], [0], [0], [1], [0, 0, 1, 1], [], []>, transpose_lhs_hint = false} : vector<2048x1024xf32>, vector<1024x8xf32>, vector<2048x8xf32> -> vector<2048x8xf32>
    %reduce_max3A = arith.constant dense<0xFF800000> : vector<2048xf32>
    %reduce_max3A_6 = vector.multi_reduction <maximumf>, %dot_general3A_5, %reduce_max3A [1] : vector<2048x8xf32> to vector<2048xf32>
    %max3A = arith.constant 0xFF800000 : f32
    %max3A_7 = vector.broadcast %max3A : f32 to vector<2048xf32>
    %max3A_8 = arith.maximumf %max3A_7, %reduce_max3A_6 : vector<2048xf32>
    %broadcast_in_dim3A = vector.shape_cast %max3A_8 : vector<2048xf32> to vector<2048x1xf32>
    %sub3A = vector.broadcast %broadcast_in_dim3A : vector<2048x1xf32> to vector<2048x8xf32>
    %sub3A_9 = arith.subf %dot_general3A_5, %sub3A : vector<2048x8xf32>
    %exp3A = math.exp %sub3A_9 : vector<2048x8xf32>
    %reduce_sum3A = arith.constant dense<0.000000e+00> : vector<2048xf32>
    %reduce_sum3A_10 = vector.multi_reduction <add>, %exp3A, %reduce_sum3A [1] : vector<2048x8xf32> to vector<2048xf32>
    %broadcast_in_dim3A_11 = vector.shape_cast %reduce_sum3A_10 : vector<2048xf32> to vector<2048x1xf32>
    %div3A = vector.broadcast %broadcast_in_dim3A_11 : vector<2048x1xf32> to vector<2048x8xf32>
    %div3A_12 = arith.divf %exp3A, %div3A : vector<2048x8xf32>
    %iota3A = tpu.iota {dimensions = array<i32: 1>} : vector<2048x8xi32>
    %reduce_max3A_13 = arith.constant dense<0xFF800000> : vector<2048xf32>
    %reduce_max3A_14 = vector.multi_reduction <maximumf>, %dot_general3A_5, %reduce_max3A_13 [1] : vector<2048x8xf32> to vector<2048xf32>
    %broadcast_in_dim3A_15 = vector.shape_cast %reduce_max3A_14 : vector<2048xf32> to vector<2048x1xf32>
    %eq3A = vector.broadcast %broadcast_in_dim3A_15 : vector<2048x1xf32> to vector<2048x8xf32>
    %eq3A_16 = arith.cmpf oeq, %dot_general3A_5, %eq3A : vector<2048x8xf32>
    %jit3A = arith.constant 8 : i32
    %broadcast_in_dim3A_17 = vector.broadcast %jit3A : i32 to vector<2048x8xi32>
    %select_n3A = arith.select %eq3A_16, %iota3A, %broadcast_in_dim3A_17 : vector<2048x8xi1>, vector<2048x8xi32>
    %reduce_min3A = arith.constant dense<2147483647> : vector<2048xi32>
    %reduce_min3A_18 = vector.multi_reduction <minsi>, %select_n3A, %reduce_min3A [1] : vector<2048x8xi32> to vector<2048xi32>
    %broadcast_in_dim3A_19 = vector.shape_cast %reduce_min3A_18 : vector<2048xi32> to vector<2048x1xi32>
    %eq3A_20 = vector.broadcast %broadcast_in_dim3A_19 : vector<2048x1xi32> to vector<2048x8xi32>
    %eq3A_21 = arith.cmpi eq, %iota3A, %eq3A_20 : vector<2048x8xi32>
    %jit3A_22 = arith.constant 0xFF800000 : f32
    %broadcast_in_dim3A_23 = vector.broadcast %jit3A_22 : f32 to vector<2048x8xf32>
    %select_n3A_24 = arith.select %eq3A_21, %broadcast_in_dim3A_23, %dot_general3A_5 : vector<2048x8xi1>, vector<2048x8xf32>
    %reduce_max3A_25 = arith.constant dense<0xFF800000> : vector<2048xf32>
    %reduce_max3A_26 = vector.multi_reduction <maximumf>, %select_n3A_24, %reduce_max3A_25 [1] : vector<2048x8xf32> to vector<2048xf32>
    %broadcast_in_dim3A_27 = vector.shape_cast %reduce_max3A_26 : vector<2048xf32> to vector<2048x1xf32>
    %eq3A_28 = vector.broadcast %broadcast_in_dim3A_27 : vector<2048x1xf32> to vector<2048x8xf32>
    %eq3A_29 = arith.cmpf oeq, %select_n3A_24, %eq3A_28 : vector<2048x8xf32>
    %jit3A_30 = arith.constant 8 : i32
    %broadcast_in_dim3A_31 = vector.broadcast %jit3A_30 : i32 to vector<2048x8xi32>
    %select_n3A_32 = arith.select %eq3A_29, %iota3A, %broadcast_in_dim3A_31 : vector<2048x8xi1>, vector<2048x8xi32>
    %reduce_min3A_33 = arith.constant dense<2147483647> : vector<2048xi32>
    %reduce_min3A_34 = vector.multi_reduction <minsi>, %select_n3A_32, %reduce_min3A_33 [1] : vector<2048x8xi32> to vector<2048xi32>
    %broadcast_in_dim3A_35 = vector.shape_cast %reduce_min3A_34 : vector<2048xi32> to vector<2048x1xi32>
    %eq3A_36 = vector.broadcast %broadcast_in_dim3A_19 : vector<2048x1xi32> to vector<2048x8xi32>
    %eq3A_37 = arith.cmpi eq, %iota3A, %eq3A_36 : vector<2048x8xi32>
    %jit3A_38 = arith.constant 0.000000e+00 : f32
    %broadcast_in_dim3A_39 = vector.broadcast %jit3A_38 : f32 to vector<2048x8xf32>
    %select_n3A_40 = arith.select %eq3A_37, %div3A_12, %broadcast_in_dim3A_39 : vector<2048x8xi1>, vector<2048x8xf32>
    %reduce_sum3A_41 = arith.constant dense<0.000000e+00> : vector<2048xf32>
    %reduce_sum3A_42 = vector.multi_reduction <add>, %select_n3A_40, %reduce_sum3A_41 [1] : vector<2048x8xf32> to vector<2048xf32>
    %broadcast_in_dim3A_43 = vector.shape_cast %reduce_sum3A_42 : vector<2048xf32> to vector<2048x1xf32>
    %eq3A_44 = vector.broadcast %broadcast_in_dim3A_35 : vector<2048x1xi32> to vector<2048x8xi32>
    %eq3A_45 = arith.cmpi eq, %iota3A, %eq3A_44 : vector<2048x8xi32>
    %jit3A_46 = arith.constant 0.000000e+00 : f32
    %broadcast_in_dim3A_47 = vector.broadcast %jit3A_46 : f32 to vector<2048x8xf32>
    %select_n3A_48 = arith.select %eq3A_45, %div3A_12, %broadcast_in_dim3A_47 : vector<2048x8xi1>, vector<2048x8xf32>
    %reduce_sum3A_49 = arith.constant dense<0.000000e+00> : vector<2048xf32>
    %reduce_sum3A_50 = vector.multi_reduction <add>, %select_n3A_48, %reduce_sum3A_49 [1] : vector<2048x8xf32> to vector<2048xf32>
    %broadcast_in_dim3A_51 = vector.shape_cast %reduce_sum3A_50 : vector<2048xf32> to vector<2048x1xf32>
    %add3A = arith.addf %broadcast_in_dim3A_43, %broadcast_in_dim3A_51 : vector<2048x1xf32>
    %eq3A_52 = vector.broadcast %broadcast_in_dim3A_19 : vector<2048x1xi32> to vector<2048x8xi32>
    %eq3A_53 = arith.cmpi eq, %iota3A, %eq3A_52 : vector<2048x8xi32>
    %convert_element_type3A = arith.extui %eq3A_53 : vector<2048x8xi1> to vector<2048x8xi32>
    %convert_element_type3A_54 = arith.sitofp %convert_element_type3A : vector<2048x8xi32> to vector<2048x8xf32>
    %eq3A_55 = vector.broadcast %broadcast_in_dim3A_35 : vector<2048x1xi32> to vector<2048x8xi32>
    %eq3A_56 = arith.cmpi eq, %iota3A, %eq3A_55 : vector<2048x8xi32>
    %convert_element_type3A_57 = arith.extui %eq3A_56 : vector<2048x8xi1> to vector<2048x8xi32>
    %convert_element_type3A_58 = arith.sitofp %convert_element_type3A_57 : vector<2048x8xi32> to vector<2048x8xf32>
    %add3A_59 = arith.addf %convert_element_type3A_54, %convert_element_type3A_58 : vector<2048x8xf32>
    %broadcast_in_dim3A_60 = arith.constant 0.000000e+00 : f32
    %broadcast_in_dim3A_61 = vector.broadcast %broadcast_in_dim3A_60 : f32 to vector<1x8xf32>
    %slice3A = vector.extract_strided_slice %add3A_59 {offsets = [0, 0], sizes = [2047, 8], strides = [1, 1]} : vector<2048x8xf32> to vector<2047x8xf32>
    %concatenate3A = tpu.concatenate %broadcast_in_dim3A_61, %slice3A in 0 : vector<1x8xf32>, vector<2047x8xf32> -> vector<2048x8xf32>
    %add3A_62 = arith.addf %add3A_59, %concatenate3A : vector<2048x8xf32>
    %broadcast_in_dim3A_63 = arith.constant 0.000000e+00 : f32
    %broadcast_in_dim3A_64 = vector.broadcast %broadcast_in_dim3A_63 : f32 to vector<2x8xf32>
    %slice3A_65 = vector.extract_strided_slice %add3A_62 {offsets = [0, 0], sizes = [2046, 8], strides = [1, 1]} : vector<2048x8xf32> to vector<2046x8xf32>
    %concatenate3A_66 = tpu.concatenate %broadcast_in_dim3A_64, %slice3A_65 in 0 : vector<2x8xf32>, vector<2046x8xf32> -> vector<2048x8xf32>
    %add3A_67 = arith.addf %add3A_62, %concatenate3A_66 : vector<2048x8xf32>
    %broadcast_in_dim3A_68 = arith.constant 0.000000e+00 : f32
    %broadcast_in_dim3A_69 = vector.broadcast %broadcast_in_dim3A_68 : f32 to vector<4x8xf32>
    %slice3A_70 = vector.extract_strided_slice %add3A_67 {offsets = [0, 0], sizes = [2044, 8], strides = [1, 1]} : vector<2048x8xf32> to vector<2044x8xf32>
    %concatenate3A_71 = tpu.concatenate %broadcast_in_dim3A_69, %slice3A_70 in 0 : vector<4x8xf32>, vector<2044x8xf32> -> vector<2048x8xf32>
    %add3A_72 = arith.addf %add3A_67, %concatenate3A_71 : vector<2048x8xf32>
    %broadcast_in_dim3A_73 = arith.constant 0.000000e+00 : f32
    %broadcast_in_dim3A_74 = vector.broadcast %broadcast_in_dim3A_73 : f32 to vector<8x8xf32>
    %slice3A_75 = vector.extract_strided_slice %add3A_72 {offsets = [0, 0], sizes = [2040, 8], strides = [1, 1]} : vector<2048x8xf32> to vector<2040x8xf32>
    %concatenate3A_76 = tpu.concatenate %broadcast_in_dim3A_74, %slice3A_75 in 0 : vector<8x8xf32>, vector<2040x8xf32> -> vector<2048x8xf32>
    %add3A_77 = arith.addf %add3A_72, %concatenate3A_76 : vector<2048x8xf32>
    %broadcast_in_dim3A_78 = arith.constant 0.000000e+00 : f32
    %broadcast_in_dim3A_79 = vector.broadcast %broadcast_in_dim3A_78 : f32 to vector<16x8xf32>
    %slice3A_80 = vector.extract_strided_slice %add3A_77 {offsets = [0, 0], sizes = [2032, 8], strides = [1, 1]} : vector<2048x8xf32> to vector<2032x8xf32>
    %concatenate3A_81 = tpu.concatenate %broadcast_in_dim3A_79, %slice3A_80 in 0 : vector<16x8xf32>, vector<2032x8xf32> -> vector<2048x8xf32>
    %add3A_82 = arith.addf %add3A_77, %concatenate3A_81 : vector<2048x8xf32>
    %broadcast_in_dim3A_83 = arith.constant 0.000000e+00 : f32
    %broadcast_in_dim3A_84 = vector.broadcast %broadcast_in_dim3A_83 : f32 to vector<32x8xf32>
    %slice3A_85 = vector.extract_strided_slice %add3A_82 {offsets = [0, 0], sizes = [2016, 8], strides = [1, 1]} : vector<2048x8xf32> to vector<2016x8xf32>
    %concatenate3A_86 = tpu.concatenate %broadcast_in_dim3A_84, %slice3A_85 in 0 : vector<32x8xf32>, vector<2016x8xf32> -> vector<2048x8xf32>
    %add3A_87 = arith.addf %add3A_82, %concatenate3A_86 : vector<2048x8xf32>
    %broadcast_in_dim3A_88 = arith.constant 0.000000e+00 : f32
    %broadcast_in_dim3A_89 = vector.broadcast %broadcast_in_dim3A_88 : f32 to vector<64x8xf32>
    %slice3A_90 = vector.extract_strided_slice %add3A_87 {offsets = [0, 0], sizes = [1984, 8], strides = [1, 1]} : vector<2048x8xf32> to vector<1984x8xf32>
    %concatenate3A_91 = tpu.concatenate %broadcast_in_dim3A_89, %slice3A_90 in 0 : vector<64x8xf32>, vector<1984x8xf32> -> vector<2048x8xf32>
    %add3A_92 = arith.addf %add3A_87, %concatenate3A_91 : vector<2048x8xf32>
    %broadcast_in_dim3A_93 = arith.constant 0.000000e+00 : f32
    %broadcast_in_dim3A_94 = vector.broadcast %broadcast_in_dim3A_93 : f32 to vector<128x8xf32>
    %slice3A_95 = vector.extract_strided_slice %add3A_92 {offsets = [0, 0], sizes = [1920, 8], strides = [1, 1]} : vector<2048x8xf32> to vector<1920x8xf32>
    %concatenate3A_96 = tpu.concatenate %broadcast_in_dim3A_94, %slice3A_95 in 0 : vector<128x8xf32>, vector<1920x8xf32> -> vector<2048x8xf32>
    %add3A_97 = arith.addf %add3A_92, %concatenate3A_96 : vector<2048x8xf32>
    %broadcast_in_dim3A_98 = arith.constant 0.000000e+00 : f32
    %broadcast_in_dim3A_99 = vector.broadcast %broadcast_in_dim3A_98 : f32 to vector<256x8xf32>
    %slice3A_100 = vector.extract_strided_slice %add3A_97 {offsets = [0, 0], sizes = [1792, 8], strides = [1, 1]} : vector<2048x8xf32> to vector<1792x8xf32>
    %concatenate3A_101 = tpu.concatenate %broadcast_in_dim3A_99, %slice3A_100 in 0 : vector<256x8xf32>, vector<1792x8xf32> -> vector<2048x8xf32>
    %add3A_102 = arith.addf %add3A_97, %concatenate3A_101 : vector<2048x8xf32>
    %broadcast_in_dim3A_103 = arith.constant 0.000000e+00 : f32
    %broadcast_in_dim3A_104 = vector.broadcast %broadcast_in_dim3A_103 : f32 to vector<512x8xf32>
    %slice3A_105 = vector.extract_strided_slice %add3A_102 {offsets = [0, 0], sizes = [1536, 8], strides = [1, 1]} : vector<2048x8xf32> to vector<1536x8xf32>
    %concatenate3A_106 = tpu.concatenate %broadcast_in_dim3A_104, %slice3A_105 in 0 : vector<512x8xf32>, vector<1536x8xf32> -> vector<2048x8xf32>
    %add3A_107 = arith.addf %add3A_102, %concatenate3A_106 : vector<2048x8xf32>
    %broadcast_in_dim3A_108 = arith.constant 0.000000e+00 : f32
    %broadcast_in_dim3A_109 = vector.broadcast %broadcast_in_dim3A_108 : f32 to vector<1024x8xf32>
    %slice3A_110 = vector.extract_strided_slice %add3A_107 {offsets = [0, 0], sizes = [1024, 8], strides = [1, 1]} : vector<2048x8xf32> to vector<1024x8xf32>
    %concatenate3A_111 = tpu.concatenate %broadcast_in_dim3A_109, %slice3A_110 in 0 : vector<1024x8xf32>, vector<1024x8xf32> -> vector<2048x8xf32>
    %add3A_112 = arith.addf %add3A_107, %concatenate3A_111 : vector<2048x8xf32>
    %sub3A_113 = arith.subf %add3A_112, %add3A_59 : vector<2048x8xf32>
    %slice3A_114 = vector.extract_strided_slice %add3A_112 {offsets = [2047, 0], sizes = [1, 8], strides = [1, 1]} : vector<2048x8xf32> to vector<1x8xf32>
    %div3A_115 = arith.constant 5.120000e+02 : f32
    %div3A_116 = vector.broadcast %div3A_115 : f32 to vector<1x8xf32>
    %div3A_117 = arith.divf %slice3A_114, %div3A_116 : vector<1x8xf32>
    %ceil3A = math.ceil %div3A_117 : vector<1x8xf32>
    %mul3A = arith.constant 5.120000e+02 : f32
    %mul3A_118 = vector.broadcast %mul3A : f32 to vector<1x8xf32>
    %mul3A_119 = arith.mulf %ceil3A, %mul3A_118 : vector<1x8xf32>
    %broadcast_in_dim3A_120 = arith.constant 0.000000e+00 : f32
    %broadcast_in_dim3A_121 = vector.broadcast %broadcast_in_dim3A_120 : f32 to vector<1x1xf32>
    %slice3A_122 = vector.extract_strided_slice %mul3A_119 {offsets = [0, 0], sizes = [1, 7], strides = [1, 1]} : vector<1x8xf32> to vector<1x7xf32>
    %concatenate3A_123 = tpu.concatenate %broadcast_in_dim3A_121, %slice3A_122 in 1 : vector<1x1xf32>, vector<1x7xf32> -> vector<1x8xf32>
    %add3A_124 = arith.addf %mul3A_119, %concatenate3A_123 : vector<1x8xf32>
    %broadcast_in_dim3A_125 = arith.constant 0.000000e+00 : f32
    %broadcast_in_dim3A_126 = vector.broadcast %broadcast_in_dim3A_125 : f32 to vector<1x2xf32>
    %slice3A_127 = vector.extract_strided_slice %add3A_124 {offsets = [0, 0], sizes = [1, 6], strides = [1, 1]} : vector<1x8xf32> to vector<1x6xf32>
    %concatenate3A_128 = tpu.concatenate %broadcast_in_dim3A_126, %slice3A_127 in 1 : vector<1x2xf32>, vector<1x6xf32> -> vector<1x8xf32>
    %add3A_129 = arith.addf %add3A_124, %concatenate3A_128 : vector<1x8xf32>
    %broadcast_in_dim3A_130 = arith.constant 0.000000e+00 : f32
    %broadcast_in_dim3A_131 = vector.broadcast %broadcast_in_dim3A_130 : f32 to vector<1x4xf32>
    %slice3A_132 = vector.extract_strided_slice %add3A_129 {offsets = [0, 0], sizes = [1, 4], strides = [1, 1]} : vector<1x8xf32> to vector<1x4xf32>
    %concatenate3A_133 = tpu.concatenate %broadcast_in_dim3A_131, %slice3A_132 in 1 : vector<1x4xf32>, vector<1x4xf32> -> vector<1x8xf32>
    %add3A_134 = arith.addf %add3A_129, %concatenate3A_133 : vector<1x8xf32>
    %sub3A_135 = arith.subf %add3A_134, %mul3A_119 : vector<1x8xf32>
    %eq3A_136 = vector.broadcast %broadcast_in_dim3A_19 : vector<2048x1xi32> to vector<2048x8xi32>
    %eq3A_137 = arith.cmpi eq, %iota3A, %eq3A_136 : vector<2048x8xi32>
    %jit3A_138 = arith.constant 0.000000e+00 : f32
    %broadcast_in_dim3A_139 = vector.broadcast %jit3A_138 : f32 to vector<2048x8xf32>
    %select_n3A_140 = arith.select %eq3A_137, %sub3A_113, %broadcast_in_dim3A_139 : vector<2048x8xi1>, vector<2048x8xf32>
    %reduce_sum3A_141 = arith.constant dense<0.000000e+00> : vector<2048xf32>
    %reduce_sum3A_142 = vector.multi_reduction <add>, %select_n3A_140, %reduce_sum3A_141 [1] : vector<2048x8xf32> to vector<2048xf32>
    %broadcast_in_dim3A_143 = vector.shape_cast %reduce_sum3A_142 : vector<2048xf32> to vector<2048x1xf32>
    %eq3A_144 = vector.broadcast %broadcast_in_dim3A_35 : vector<2048x1xi32> to vector<2048x8xi32>
    %eq3A_145 = arith.cmpi eq, %iota3A, %eq3A_144 : vector<2048x8xi32>
    %jit3A_146 = arith.constant 0.000000e+00 : f32
    %broadcast_in_dim3A_147 = vector.broadcast %jit3A_146 : f32 to vector<2048x8xf32>
    %select_n3A_148 = arith.select %eq3A_145, %sub3A_113, %broadcast_in_dim3A_147 : vector<2048x8xi1>, vector<2048x8xf32>
    %reduce_sum3A_149 = arith.constant dense<0.000000e+00> : vector<2048xf32>
    %reduce_sum3A_150 = vector.multi_reduction <add>, %select_n3A_148, %reduce_sum3A_149 [1] : vector<2048x8xf32> to vector<2048xf32>
    %broadcast_in_dim3A_151 = vector.shape_cast %reduce_sum3A_150 : vector<2048xf32> to vector<2048x1xf32>
    %eq3A_152 = vector.broadcast %broadcast_in_dim3A_19 : vector<2048x1xi32> to vector<2048x8xi32>
    %eq3A_153 = arith.cmpi eq, %iota3A, %eq3A_152 : vector<2048x8xi32>
    %jit3A_154 = arith.constant 0.000000e+00 : f32
    %broadcast_in_dim3A_155 = vector.shape_cast %sub3A_135 : vector<1x8xf32> to vector<1x8xf32>
    %broadcast_in_dim3A_156 = vector.broadcast %broadcast_in_dim3A_155 : vector<1x8xf32> to vector<2048x8xf32>
    %broadcast_in_dim3A_157 = vector.broadcast %jit3A_154 : f32 to vector<2048x8xf32>
    %select_n3A_158 = arith.select %eq3A_153, %broadcast_in_dim3A_156, %broadcast_in_dim3A_157 : vector<2048x8xi1>, vector<2048x8xf32>
    %reduce_sum3A_159 = arith.constant dense<0.000000e+00> : vector<2048xf32>
    %reduce_sum3A_160 = vector.multi_reduction <add>, %select_n3A_158, %reduce_sum3A_159 [1] : vector<2048x8xf32> to vector<2048xf32>
    %broadcast_in_dim3A_161 = vector.shape_cast %reduce_sum3A_160 : vector<2048xf32> to vector<2048x1xf32>
    %eq3A_162 = vector.broadcast %broadcast_in_dim3A_35 : vector<2048x1xi32> to vector<2048x8xi32>
    %eq3A_163 = arith.cmpi eq, %iota3A, %eq3A_162 : vector<2048x8xi32>
    %jit3A_164 = arith.constant 0.000000e+00 : f32
    %broadcast_in_dim3A_165 = vector.shape_cast %sub3A_135 : vector<1x8xf32> to vector<1x8xf32>
    %broadcast_in_dim3A_166 = vector.broadcast %broadcast_in_dim3A_165 : vector<1x8xf32> to vector<2048x8xf32>
    %broadcast_in_dim3A_167 = vector.broadcast %jit3A_164 : f32 to vector<2048x8xf32>
    %select_n3A_168 = arith.select %eq3A_163, %broadcast_in_dim3A_166, %broadcast_in_dim3A_167 : vector<2048x8xi1>, vector<2048x8xf32>
    %reduce_sum3A_169 = arith.constant dense<0.000000e+00> : vector<2048xf32>
    %reduce_sum3A_170 = vector.multi_reduction <add>, %select_n3A_168, %reduce_sum3A_169 [1] : vector<2048x8xf32> to vector<2048xf32>
    %broadcast_in_dim3A_171 = vector.shape_cast %reduce_sum3A_170 : vector<2048xf32> to vector<2048x1xf32>
    %add3A_172 = arith.addf %broadcast_in_dim3A_161, %broadcast_in_dim3A_143 : vector<2048x1xf32>
    %add3A_173 = arith.addf %broadcast_in_dim3A_171, %broadcast_in_dim3A_151 : vector<2048x1xf32>
    %concatenate3A_174 = tpu.concatenate %add3A_172, %add3A_173 in 1 : vector<2048x1xf32>, vector<2048x1xf32> -> vector<2048x2xf32>
    %convert_element_type3A_175 = arith.fptosi %concatenate3A_174 : vector<2048x2xf32> to vector<2048x2xi32>
    %swap3A = arith.constant 0 : index
    %swap3A_176 = arith.constant 0 : index
    %swap3A_177 = vector.load %arg2[%swap3A, %swap3A_176] : memref<2048x2xi32, #tpu.memory_space<vmem>>, vector<2048x2xi32>
    tpu.vector_store %arg2[%swap3A, %swap3A_176], %convert_element_type3A_175 {strides = array<i32>} : memref<2048x2xi32, #tpu.memory_space<vmem>>, vector<2048x2xi32>,
    %div3A_178 = arith.divf %broadcast_in_dim3A_43, %add3A : vector<2048x1xf32>
    %div3A_179 = arith.divf %broadcast_in_dim3A_51, %add3A : vector<2048x1xf32>
    %concatenate3A_180 = tpu.concatenate %div3A_178, %div3A_179 in 1 : vector<2048x1xf32>, vector<2048x1xf32> -> vector<2048x2xf32>
    %swap3A_181 = arith.constant 0 : index
    %swap3A_182 = arith.constant 0 : index
    %swap3A_183 = vector.load %arg3[%swap3A_181, %swap3A_182] : memref<2048x2xf32, #tpu.memory_space<vmem>>, vector<2048x2xf32>
    tpu.vector_store %arg3[%swap3A_181, %swap3A_182], %concatenate3A_180 {strides = array<i32>} : memref<2048x2xf32, #tpu.memory_space<vmem>>, vector<2048x2xf32>,
    %iota3A_184 = tpu.iota {dimensions = array<i32: 0>} : vector<16x8xi32>
    %convert_element_type3A_185 = arith.sitofp %iota3A_184 : vector<16x8xi32> to vector<16x8xf32>
    %mul3A_186 = arith.constant 5.120000e+02 : f32
    %mul3A_187 = vector.broadcast %mul3A_186 : f32 to vector<16x8xf32>
    %mul3A_188 = arith.mulf %convert_element_type3A_185, %mul3A_187 : vector<16x8xf32>
    %broadcast_in_dim3A_189 = vector.shape_cast %sub3A_135 : vector<1x8xf32> to vector<1x8xf32>
    %broadcast_in_dim3A_190 = vector.broadcast %broadcast_in_dim3A_189 : vector<1x8xf32> to vector<16x8xf32>
    %le3A = arith.cmpf ole, %broadcast_in_dim3A_190, %mul3A_188 : vector<16x8xf32>
    %convert_element_type3A_191 = arith.extui %le3A : vector<16x8xi1> to vector<16x8xi32>
    %convert_element_type3A_192 = arith.sitofp %convert_element_type3A_191 : vector<16x8xi32> to vector<16x8xf32>
    %reduce_sum3A_193 = arith.constant dense<0.000000e+00> : vector<16xf32>
    %reduce_sum3A_194 = vector.multi_reduction <add>, %convert_element_type3A_192, %reduce_sum3A_193 [1] : vector<16x8xf32> to vector<16xf32>
    %broadcast_in_dim3A_195 = vector.shape_cast %reduce_sum3A_194 : vector<16xf32> to vector<16x1xf32>
    %convert_element_type3A_196 = arith.fptosi %broadcast_in_dim3A_195 : vector<16x1xf32> to vector<16x1xi32>
    %sub3A_197 = arith.constant 1 : i32
    %sub3A_198 = vector.broadcast %sub3A_197 : i32 to vector<16x1xi32>
    %sub3A_199 = arith.subi %convert_element_type3A_196, %sub3A_198 : vector<16x1xi32>
    %slice3A_200 = vector.extract_strided_slice %add3A_134 {offsets = [0, 7], sizes = [1, 1], strides = [1, 1]} : vector<1x8xf32> to vector<1x1xf32>
    %div3A_201 = arith.constant 5.120000e+02 : f32
    %div3A_202 = vector.broadcast %div3A_201 : f32 to vector<1x1xf32>
    %div3A_203 = arith.divf %slice3A_200, %div3A_202 : vector<1x1xf32>
    %convert_element_type3A_204 = arith.fptosi %div3A_203 : vector<1x1xf32> to vector<1x1xi32>
    %concatenate3A_205 = tpu.concatenate %sub3A_199, %convert_element_type3A_204 in 0 : vector<16x1xi32>, vector<1x1xi32> -> vector<17x1xi32>
    %swap3A_206 = arith.constant 0 : index
    %swap3A_207 = arith.constant 0 : index
    %swap3A_208 = vector.load %arg4[%swap3A_206, %swap3A_207] : memref<17x1xi32, #tpu.memory_space<vmem>>, vector<17x1xi32>
    tpu.vector_store %arg4[%swap3A_206, %swap3A_207], %concatenate3A_205 {strides = array<i32>} : memref<17x1xi32, #tpu.memory_space<vmem>>, vector<17x1xi32>,
    return
  }
}

module attributes {stable_mosaic.version = 14 : i64} {
  func.func @_grouped_body(%arg0: i32, %arg1: memref<17xi32, #tpu.memory_space<smem>>, %arg2: memref<512x1xi32, #tpu.memory_space<vmem>>, %arg3: memref<512x1xf32, #tpu.memory_space<vmem>>, %arg4: memref<2048x1024xf32, #tpu.memory_space<vmem>>, %arg5: memref<1x1024x1024xf32, #tpu.memory_space<vmem>>, %arg6: memref<1x1024x1024xf32, #tpu.memory_space<vmem>>, %arg7: memref<1x1024x1024xf32, #tpu.memory_space<vmem>>, %arg8: memref<512x1024xf32, #tpu.memory_space<vmem>>) attributes {dimension_semantics = [#tpu.dimension_semantics<arbitrary>], iteration_bounds = array<i64: 16>, scalar_prefetch = 1 : i64, scratch_operands = 0 : i64, tpu.core_type = #tpu.core_type<tc>, window_params = [{transform_indices = @transform_0, window_bounds = array<i64: 512, 1>}, {transform_indices = @transform_1, window_bounds = array<i64: 512, 1>}, {pipeline_mode = #tpu.pipeline_mode<synchronous>, transform_indices = @transform_2, window_bounds = array<i64: 2048, 1024>}, {transform_indices = @transform_3, window_bounds = array<i64: 1, 1024, 1024>}, {transform_indices = @transform_4, window_bounds = array<i64: 1, 1024, 1024>}, {transform_indices = @transform_5, window_bounds = array<i64: 1, 1024, 1024>}, {transform_indices = @transform_6, window_bounds = array<i64: 512, 1024>}]} {
    %get3A = arith.constant 16 : index
    %get3A_0 = memref.load %arg1[%get3A] : memref<17xi32, #tpu.memory_space<smem>>
    %lt3A = arith.cmpi slt, %arg0, %get3A_0 : i32
    %convert_element_type3A = arith.extui %lt3A : i1 to i32
    %cond3A = arith.constant 0 : i32
    %cond3A_1 = arith.cmpi ne, %convert_element_type3A, %cond3A : i32
    scf.if %cond3A_1 {
      %get3A_2 = arith.constant 0 : index
      %get3A_3 = arith.constant 0 : index
      %get3A_4 = vector.load %arg2[%get3A_2, %get3A_3] : memref<512x1xi32, #tpu.memory_space<vmem>>, vector<512x1xi32>
      %iota3A = tpu.iota {dimensions = array<i32: 1>} : vector<512x2048xi32>
      %eq3A = vector.broadcast %get3A_4 : vector<512x1xi32> to vector<512x2048xi32>
      %eq3A_5 = arith.cmpi eq, %iota3A, %eq3A : vector<512x2048xi32>
      %convert_element_type3A_6 = arith.extui %eq3A_5 : vector<512x2048xi1> to vector<512x2048xi32>
      %convert_element_type3A_7 = arith.sitofp %convert_element_type3A_6 : vector<512x2048xi32> to vector<512x2048xf32>
      %get3A_8 = arith.constant 0 : index
      %get3A_9 = arith.constant 0 : index
      %get3A_10 = vector.load %arg4[%get3A_8, %get3A_9] : memref<2048x1024xf32, #tpu.memory_space<vmem>>, vector<2048x1024xf32>
      %dot_general3A = arith.constant dense<0.000000e+00> : vector<512x1024xf32>
      %dot_general3A_11 = tpu.matmul %convert_element_type3A_7, %get3A_10, %dot_general3A {dimension_numbers = #tpu.dot_dimension_numbers<[1], [0], [0], [1], [0, 0, 1, 1], [], []>, transpose_lhs_hint = false} : vector<512x2048xf32>, vector<2048x1024xf32>, vector<512x1024xf32> -> vector<512x1024xf32>
      %get3A_12 = arith.constant 0 : index
      %get3A_13 = arith.constant 0 : index
      %get3A_14 = arith.constant 0 : index
      %get3A_15 = vector.load %arg5[%get3A_12, %get3A_13, %get3A_14] : memref<1x1024x1024xf32, #tpu.memory_space<vmem>>, vector<1x1024x1024xf32>
      %get3A_16 = vector.shape_cast %get3A_15 : vector<1x1024x1024xf32> to vector<1024x1024xf32>
      %dot_general3A_17 = arith.constant dense<0.000000e+00> : vector<512x1024xf32>
      %dot_general3A_18 = tpu.matmul %dot_general3A_11, %get3A_16, %dot_general3A_17 {dimension_numbers = #tpu.dot_dimension_numbers<[1], [0], [0], [1], [0, 0, 1, 1], [], []>, transpose_lhs_hint = false} : vector<512x1024xf32>, vector<1024x1024xf32>, vector<512x1024xf32> -> vector<512x1024xf32>
      %get3A_19 = arith.constant 0 : index
      %get3A_20 = arith.constant 0 : index
      %get3A_21 = arith.constant 0 : index
      %get3A_22 = vector.load %arg6[%get3A_19, %get3A_20, %get3A_21] : memref<1x1024x1024xf32, #tpu.memory_space<vmem>>, vector<1x1024x1024xf32>
      %get3A_23 = vector.shape_cast %get3A_22 : vector<1x1024x1024xf32> to vector<1024x1024xf32>
      %dot_general3A_24 = arith.constant dense<0.000000e+00> : vector<512x1024xf32>
      %dot_general3A_25 = tpu.matmul %dot_general3A_11, %get3A_23, %dot_general3A_24 {dimension_numbers = #tpu.dot_dimension_numbers<[1], [0], [0], [1], [0, 0, 1, 1], [], []>, transpose_lhs_hint = false} : vector<512x1024xf32>, vector<1024x1024xf32>, vector<512x1024xf32> -> vector<512x1024xf32>
      %logistic3A = arith.negf %dot_general3A_18 : vector<512x1024xf32>
      %logistic3A_26 = math.exp %logistic3A : vector<512x1024xf32>
      %logistic3A_27 = arith.constant 1.000000e+00 : f32
      %logistic3A_28 = vector.broadcast %logistic3A_27 : f32 to vector<512x1024xf32>
      %logistic3A_29 = arith.addf %logistic3A_28, %logistic3A_26 : vector<512x1024xf32>
      %logistic3A_30 = arith.divf %logistic3A_28, %logistic3A_29 : vector<512x1024xf32>
      %mul3A = arith.mulf %dot_general3A_18, %logistic3A_30 : vector<512x1024xf32>
      %mul3A_31 = arith.mulf %mul3A, %dot_general3A_25 : vector<512x1024xf32>
      %get3A_32 = arith.constant 0 : index
      %get3A_33 = arith.constant 0 : index
      %get3A_34 = vector.load %arg3[%get3A_32, %get3A_33] : memref<512x1xf32, #tpu.memory_space<vmem>>, vector<512x1xf32>
      %mul3A_35 = vector.broadcast %get3A_34 : vector<512x1xf32> to vector<512x1024xf32>
      %mul3A_36 = arith.mulf %mul3A_31, %mul3A_35 : vector<512x1024xf32>
      %get3A_37 = arith.constant 0 : index
      %get3A_38 = arith.constant 0 : index
      %get3A_39 = arith.constant 0 : index
      %get3A_40 = vector.load %arg7[%get3A_37, %get3A_38, %get3A_39] : memref<1x1024x1024xf32, #tpu.memory_space<vmem>>, vector<1x1024x1024xf32>
      %get3A_41 = vector.shape_cast %get3A_40 : vector<1x1024x1024xf32> to vector<1024x1024xf32>
      %dot_general3A_42 = arith.constant dense<0.000000e+00> : vector<512x1024xf32>
      %dot_general3A_43 = tpu.matmul %mul3A_36, %get3A_41, %dot_general3A_42 {dimension_numbers = #tpu.dot_dimension_numbers<[1], [0], [0], [1], [0, 0, 1, 1], [], []>, transpose_lhs_hint = false} : vector<512x1024xf32>, vector<1024x1024xf32>, vector<512x1024xf32> -> vector<512x1024xf32>
      %swap3A = arith.constant 0 : index
      %swap3A_44 = arith.constant 0 : index
      %swap3A_45 = vector.load %arg8[%swap3A, %swap3A_44] : memref<512x1024xf32, #tpu.memory_space<vmem>>, vector<512x1024xf32>
      tpu.vector_store %arg8[%swap3A, %swap3A_44], %dot_general3A_43 {strides = array<i32>} : memref<512x1024xf32, #tpu.memory_space<vmem>>, vector<512x1024xf32>,
    } else {
    }
    return
  }
  func.func @transform_0(%arg0: i32, %arg1: memref<17xi32, #tpu.memory_space<smem>>) -> (i32, i32) {
    %c0_i32 = arith.constant 0 : i32
    %c0_i32_0 = arith.constant 0 : i32
    return %arg0, %c0_i32 : i32, i32
  }
  func.func @transform_1(%arg0: i32, %arg1: memref<17xi32, #tpu.memory_space<smem>>) -> (i32, i32) {
    %c0_i32 = arith.constant 0 : i32
    %c0_i32_0 = arith.constant 0 : i32
    return %arg0, %c0_i32 : i32, i32
  }
  func.func @transform_2(%arg0: i32, %arg1: memref<17xi32, #tpu.memory_space<smem>>) -> (i32, i32) {
    %c0_i32 = arith.constant 0 : i32
    %c0_i32_0 = arith.constant 0 : i32
    %c0_i32_1 = arith.constant 0 : i32
    return %c0_i32, %c0_i32_0 : i32, i32
  }
  func.func @transform_3(%arg0: i32, %arg1: memref<17xi32, #tpu.memory_space<smem>>) -> (i32, i32, i32) {
    %get3A = arith.index_cast %arg0 : i32 to index
    %get3A_0 = memref.load %arg1[%get3A] : memref<17xi32, #tpu.memory_space<smem>>
    %c0_i32 = arith.constant 0 : i32
    %c0_i32_1 = arith.constant 0 : i32
    %c0_i32_2 = arith.constant 0 : i32
    return %get3A_0, %c0_i32, %c0_i32_1 : i32, i32, i32
  }
  func.func @transform_4(%arg0: i32, %arg1: memref<17xi32, #tpu.memory_space<smem>>) -> (i32, i32, i32) {
    %get3A = arith.index_cast %arg0 : i32 to index
    %get3A_0 = memref.load %arg1[%get3A] : memref<17xi32, #tpu.memory_space<smem>>
    %c0_i32 = arith.constant 0 : i32
    %c0_i32_1 = arith.constant 0 : i32
    %c0_i32_2 = arith.constant 0 : i32
    return %get3A_0, %c0_i32, %c0_i32_1 : i32, i32, i32
  }
  func.func @transform_5(%arg0: i32, %arg1: memref<17xi32, #tpu.memory_space<smem>>) -> (i32, i32, i32) {
    %get3A = arith.index_cast %arg0 : i32 to index
    %get3A_0 = memref.load %arg1[%get3A] : memref<17xi32, #tpu.memory_space<smem>>
    %c0_i32 = arith.constant 0 : i32
    %c0_i32_1 = arith.constant 0 : i32
    %c0_i32_2 = arith.constant 0 : i32
    return %get3A_0, %c0_i32, %c0_i32_1 : i32, i32, i32
  }
  func.func @transform_6(%arg0: i32, %arg1: memref<17xi32, #tpu.memory_space<smem>>) -> (i32, i32) {
    %c0_i32 = arith.constant 0 : i32
    %c0_i32_0 = arith.constant 0 : i32
    return %arg0, %c0_i32 : i32, i32
  }
}

module attributes {stable_mosaic.version = 14 : i64} {
  func.func @_pair_sum_body(%arg0: i32, %arg1: memref<1024x1024xf32, #tpu.memory_space<vmem>>, %arg2: memref<512x1024xf32, #tpu.memory_space<vmem>>) attributes {dimension_semantics = [#tpu.dimension_semantics<arbitrary>], iteration_bounds = array<i64: 4>, scalar_prefetch = 0 : i64, scratch_operands = 0 : i64, tpu.core_type = #tpu.core_type<tc>, window_params = [{transform_indices = @transform_0, window_bounds = array<i64: 1024, 1024>}, {transform_indices = @transform_1, window_bounds = array<i64: 512, 1024>}]} {
    %get3A = arith.constant 0 : index
    %get3A_0 = arith.constant 0 : index
    %get3A_1 = vector.load %arg1[%get3A, %get3A_0] : memref<1024x1024xf32, #tpu.memory_space<vmem>>, vector<1024x1024xf32>
    %iota3A = tpu.iota {dimensions = array<i32: 0>} : vector<512x1024xi32>
    %iota3A_2 = tpu.iota {dimensions = array<i32: 1>} : vector<512x1024xi32>
    %shift_right_logical3A = arith.constant 1 : i32
    %shift_right_logical3A_3 = vector.broadcast %shift_right_logical3A : i32 to vector<512x1024xi32>
    %shift_right_logical3A_4 = arith.shrui %iota3A_2, %shift_right_logical3A_3 : vector<512x1024xi32>
    %eq3A = arith.cmpi eq, %shift_right_logical3A_4, %iota3A : vector<512x1024xi32>
    %convert_element_type3A = arith.extui %eq3A : vector<512x1024xi1> to vector<512x1024xi32>
    %convert_element_type3A_5 = arith.sitofp %convert_element_type3A : vector<512x1024xi32> to vector<512x1024xf32>
    %dot_general3A = arith.constant dense<0.000000e+00> : vector<512x1024xf32>
    %dot_general3A_6 = tpu.matmul %convert_element_type3A_5, %get3A_1, %dot_general3A {dimension_numbers = #tpu.dot_dimension_numbers<[1], [0], [0], [1], [0, 0, 1, 1], [], []>, transpose_lhs_hint = false} : vector<512x1024xf32>, vector<1024x1024xf32>, vector<512x1024xf32> -> vector<512x1024xf32>
    %swap3A = arith.constant 0 : index
    %swap3A_7 = arith.constant 0 : index
    %swap3A_8 = vector.load %arg2[%swap3A, %swap3A_7] : memref<512x1024xf32, #tpu.memory_space<vmem>>, vector<512x1024xf32>
    tpu.vector_store %arg2[%swap3A, %swap3A_7], %dot_general3A_6 {strides = array<i32>} : memref<512x1024xf32, #tpu.memory_space<vmem>>, vector<512x1024xf32>,
    return
  }
  func.func @transform_0(%arg0: i32) -> (i32, i32) {
    %c0_i32 = arith.constant 0 : i32
    %c0_i32_0 = arith.constant 0 : i32
    return %arg0, %c0_i32 : i32, i32
  }
  func.func @transform_1(%arg0: i32) -> (i32, i32) {
    %c0_i32 = arith.constant 0 : i32
    %c0_i32_0 = arith.constant 0 : i32
    return %arg0, %c0_i32 : i32, i32
  }
}

</mosaic_0001>

<sc_bundles>
// kernel: kernel.10.cloned.1.call-start
scs
__scs_entry_jumppad:
0x0: {  	(pc) =	sbr.rel $0x88, $3  }
0x1: {  	(tag) =	ssettag $0x0;
	lr =	simm.s32 $0x1  }
0x2: {  	[smem:$0x3F9C] =	sst lr;
	_ =	strace $0xD0000000  }
0x3: {  	_ = 	snop  }
0x4: {  	_ = 	snop  }
0x5: {  	_ = 	snop  }
0x6: {  	_ = 	snop  }
0x7: {  	_ = 	snop  }
__scs_overlays_trampoline_lowered:
0x8: {  	[smem:$0x3FAB] =	sst s0  }
0x9: {  	[smem:$0x3FAC] =	sst s1  }
0xa: {  	[smem:$0x3FAD] =	sst s2  }
0xb: {  	[smem:$0x3FAE] =	sst s3  }
0xc: {  	[smem:$0x3FAF] =	sst s4  }
0xd: {  	[smem:$0x3FB0] =	sst s5  }
0xe: {  	[smem:$0x3FB1] =	sst s6  }
0xf: {  	[smem:$0x3FB2] =	sst s7  }
0x10: {  	[smem:$0x3FB3] =	sst s8  }
0x11: {  	[smem:$0x3FB4] =	sst s9;
	s0 =	simm.s32 @!p0 $0x0  }
0x12: {  	s1 =	sld [smem:$0x3F9A];
	s0 =	simm.s32 @p0 $0x1  }
0x13: {  	[smem:$0x3FB5] =	sst s0;
	s0 =	simm.s32 @!p1 $0x0  }
0x14: {  	s2 =	sld [smem:$0x3F99];
	s0 =	simm.s32 @p1 $0x1  }
0x15: {  	[smem:$0x3FB6] =	sst s0;
	s0 =	simm.s32 @!p2 $0x0  }
0x16: {  	s3 =	sld [smem:$0x3FDB];
	s0 =	simm.s32 @p2 $0x1  }
0x17: {  	s4 =	simm.s32 $0x1BF5;
	[smem:$0x3FB8] =	sst s0  }
0x18: {  	s0 =	sld [smem:$0x3F9B];
	_ =	swait.ge [sflag:s4], $0x0  }
0x19: {  	s7 =	sld [smem:$0x3F9C]  }
0x1a: {  	s8 =	sadd.s32 $0xFFFFE003, lr  }
0x1b: {  	s9 =	sadd.s32 $0xFFFFFEF7, lr;
	s5 =	simm.s32 $0xFFFFFFFF;
	p2 =	slt.u32 s8, $0xFFFFF086  }
0x1c: {  	p1 =	slt.u32 s9, $0xF7A;
	s5 =	simm.s32 @!p2 $0x0  }
0x1d: {  	s5 =	simm.s32 @p1 $0x1;
	p0 =	seq.s32 s7, s2  }
0x1e: {  	s7 =	smul.u32 @!p0 $0xF7A, s2;
	p2 =	seq.s32 @!p0 s5, $0x0  }
0x1f: {  	s9 =	smul.u32 $0xF7A, s1;
	s8 =	simm.s32 @!p0 $0x1BF5;
	p2 =	por !p2, p0  }
0x20: {  	[sflag:s8] =	ssyncset.s32 @!p0 $0xFFFFF086;
	s6 =	sadd.s32 @!p0 s3, s7;
	s7 =	simm.s32 @!p0 $0x108  }
0x21: {  	s3 =	sadd.s32 s3, s9;
	s6 =	sadd.s32 @!p0 $0x88, s6;
	s7 =	simm.s32 @p2 $0x1082  }
0x22: {  	[simem:s7], [sflag:s8] =	dma.local @!p0 [hbm:s6], $0xF7A  }
0x23: {  	s9 =	sor.u32 $0xD0000000, s2;
	s6 =	simm.s32 $0x108;
	_ =	swait.ge @!p0 [sflag:s8], $0x0  }
0x24: {  	s3 =	sadd.s32 $0x88, s3;
	s6 =	simm.s32 @!p1 $0x1082;
	[sflag:s4] =	ssyncset.s32 $0xFFFFF086  }
0x25: {  	[simem:s6], [sflag:s4] =	dma.local [hbm:s3], $0xF7A  }
0x26: {  	[smem:$0x3F9C] =	sst s1;
	(tag) =	ssettag s2;
	_ =	strace s9  }
0x27: {  	s1 =	sld [smem:$0x3FAC]  }
0x28: {  	s2 =	sld [smem:$0x3FAD]  }
0x29: {  	s4 =	sld [smem:$0x3FAF]  }
0x2a: {  	p0 =	seq.s32 s5, $0x0;
	s5 =	sld [smem:$0x3FB0]  }
0x2b: {  	s6 =	sld [smem:$0x3FB1]  }
0x2c: {  	s7 =	sld [smem:$0x3FB2]  }
0x2d: {  	s3 =	simm.s32 $0x108;
	s8 =	sld [smem:$0x3FB3]  }
0x2e: {  	s3 =	simm.s32 @!p0 $0x1082;
	s9 =	sld [smem:$0x3FB4]  }
0x2f: {  	lr =	sadd.s32 s0, s3;
	s0 =	sld [smem:$0x3FAB]  }
0x30: {  	s3 =	sld [smem:$0x3FAE]  }
0x31: {  	[smem:$0x3FB7] =	sst s10  }
0x32: {  	s10 =	sld [smem:$0x3FB5];
	_ =	sdelay $0x3  }
0x33: {  	p0 =	seq.s32 s10, $0x1;
	s10 =	sld [smem:$0x3FB7];
	_ =	sdelay $0x3  }
0x34: {  	[smem:$0x3FB7] =	sst s10  }
0x35: {  	s10 =	sld [smem:$0x3FB6];
	_ =	sdelay $0x3  }
0x36: {  	p1 =	seq.s32 s10, $0x1;
	s10 =	sld [smem:$0x3FB7];
	_ =	sdelay $0x3  }
0x37: {  	[smem:$0x3FB7] =	sst s10  }
0x38: {  	s10 =	sld [smem:$0x3FB8]  }
0x39: {  	_ = 	snop;
	(pc) =	sbr.ind lr, $3  }
0x3a: {  	_ = 	snop  }
0x3b: {  	_ = 	snop  }
0x3c: {  	p2 =	seq.s32 s10, $0x1;
	s10 =	sld [smem:$0x3FB7]  }
0x3d: {  	_ =	shalt  }
0x3e: {  	_ =	shalt  }
0x3f: {  	_ =	shalt  }
0x40: {  	_ =	shalt  }
0x41: {  	_ =	shalt  }
0x42: {  	_ =	shalt  }
0x43: {  	_ =	shalt  }
0x44: {  	_ =	shalt  }
0x45: {  	_ =	shalt  }
0x46: {  	_ =	shalt  }
0x47: {  	_ =	shalt  }
0x48: {  	_ =	shalt  }
0x49: {  	_ =	shalt  }
0x4a: {  	_ =	shalt  }
0x4b: {  	_ =	shalt  }
0x4c: {  	_ =	shalt  }
0x4d: {  	_ =	shalt  }
0x4e: {  	_ =	shalt  }
0x4f: {  	_ =	shalt  }
0x50: {  	_ =	shalt  }
0x51: {  	_ =	shalt  }
0x52: {  	_ =	shalt  }
0x53: {  	_ =	shalt  }
0x54: {  	_ =	shalt  }
0x55: {  	_ =	shalt  }
0x56: {  	_ =	shalt  }
0x57: {  	_ =	shalt  }
0x58: {  	_ =	shalt  }
0x59: {  	_ =	shalt  }
0x5a: {  	_ =	shalt  }
0x5b: {  	_ =	shalt  }
0x5c: {  	_ =	shalt  }
0x5d: {  	_ =	shalt  }
0x5e: {  	_ =	shalt  }
0x5f: {  	_ =	shalt  }
0x60: {  	_ =	shalt  }
0x61: {  	_ =	shalt  }
0x62: {  	_ =	shalt  }
0x63: {  	_ =	shalt  }
0x64: {  	_ =	shalt  }
0x65: {  	_ =	shalt  }
0x66: {  	_ =	shalt  }
0x67: {  	_ =	shalt  }
0x68: {  	_ =	shalt  }
0x69: {  	_ =	shalt  }
0x6a: {  	_ =	shalt  }
0x6b: {  	_ =	shalt  }
0x6c: {  	_ =	shalt  }
0x6d: {  	_ =	shalt  }
0x6e: {  	_ =	shalt  }
0x6f: {  	_ =	shalt  }
0x70: {  	_ =	shalt  }
0x71: {  	_ =	shalt  }
0x72: {  	_ =	shalt  }
0x73: {  	_ =	shalt  }
0x74: {  	_ =	shalt  }
0x75: {  	_ =	shalt  }
0x76: {  	_ =	shalt  }
0x77: {  	_ =	shalt  }
0x78: {  	_ =	shalt  }
0x79: {  	_ =	shalt  }
0x7a: {  	_ =	shalt  }
0x7b: {  	_ =	shalt  }
0x7c: {  	_ =	shalt  }
0x7d: {  	_ =	shalt  }
0x7e: {  	_ =	shalt  }
0x7f: {  	_ =	shalt  }
0x80: {  	_ =	shalt  }
0x81: {  	_ =	shalt  }
0x82: {  	_ =	shalt  }
0x83: {  	_ =	shalt  }
0x84: {  	_ =	shalt  }
0x85: {  	_ =	shalt  }
0x86: {  	_ =	shalt  }
0x87: {  	_ =	shalt  }
.Lfunc_end0:
.L_simem_size_0:
called_computation.1_lowered:
.L_overlay_start_0:
0x88: {  	s2 =	sld [smem:$0x3FD9]  }
0x89: {  	s3 =	sld [smem:$0x3FFE];
	_ =	sdelay $0x1  }
0x8a: {  	s1 =	srdreg.scid  }
0x8b: {  	s0 =	sand.u32 $0x1, s1  }
0x8c: {  	s16 =	sshll.u32 s0, $0xA;
	s2 =	sadd.s32 s3, s2  }
0x8d: {  	s2 =	sadd.s32 s2, s16  }
0x8e: {  	[smem:$0x3FC3] =	sst s2  }
0x8f: {  	_ = 	snop  }
0x90: {  	(tm) =	ssettm $0x1  }
0x91: {  	s17 =	sld [smem:$0x3FFB];
	_ =	sdelay $0x3  }
0x92: {  	_ =	strace s17  }
0x93: {  	s2 =	sld [smem:$0x3FFC];
	_ =	sdelay $0x3  }
0x94: {  	_ =	strace s2  }
0x95: {  	s2 =	sld [smem:$0x3FFD];
	_ =	sdelay $0x3  }
0x96: {  	_ =	strace s2  }
0x97: {  	_ =	strace $0x8FFFFFFF  }
0x98: {  	s18 =	sld [smem:$0x3FDB];
	_ =	sdelay $0x1  }
0x99: {  	s19 =	simm.s32 $_scs_section_size  }
0x9a: {  	s4 =	simm.s32 $_size__tile_overlayer_lowered;
	s5 =	simm.s32 $_tile_overlayer_lowered  }
0x9b: {  	s22 =	simm.s32 $0x1BFF;
	s21 =	sshll.u32 s5, $0x1;
	s2 =	sadd.s32 s19, s18  }
0x9c: {  	s6 =	simm.s32 $0x0;
	s20 =	sshll.u32 s4, $0x1;
	s4 =	sadd.s32 s21, s2  }
0x9d: {  	[timem:s6], [sflag:s22] =	dma.local [hbm:s4], s20  }
0x9e: {  	_ =	swait.ge [sflag:s22], s20  }
0x9f: {  	s3 =	ssub.s32 $0x0, s20;
	[sflag:s22] =	ssyncset.done $0x0  }
0xa0: {  	[sflag:s22] =	ssyncadd.s32 s3;
	_ =	sdelay $0x1  }
0xa1: {  	s23 =	simm.s32 $0x1B8B  }
0xa2: {  	_ =	swait.ge [sflag:s23], $0x1  }
0xa3: {  	[sflag:s23] =	ssyncset.done $0x0  }
0xa4: {  	s25 =	simm.s32 $0x1B8E;
	s24 =	sld [smem:$0x3FFE];
	[sflag:s23] =	ssyncadd.s32 $0xFFFFFFFF  }
0xa5: {  	s26 =	simm.s32 $execute0_lowered;
	[smem:$0x3FD2] =	sst s25  }
0xa6: {  	s4 =	sshll.u32 s26, $0x1;
	_ =	strace $0x80000049;
	[dreg:$0x1] =	wrdreg $0xFFFFFFFF  }
0xa7: {  	s28 =	simm.s32 $_size_execute0_lowered;
	s2 =	sadd.s32 s2, s4;
	[dreg:$0x0] =	wrdreg $0x0  }
0xa8: {  	s4 =	sshll.u32 s28, $0x1;
	[dreg:$0x2] =	wrdreg s2  }
0xa9: {  	[dreg:$0x3] =	wrdreg s4  }
0xaa: {  	[dreg:$0x4] =	wrdreg $0xC0  }
0xab: {  	_ =	task [dreg:s6], $0x5FFFF  }
0xac: {  	[dreg:$0x1] =	wrdreg $0xFFFFFFFF  }
0xad: {  	[dreg:$0x0] =	wrdreg $0x60  }
0xae: {  	[dreg:$0x2] =	wrdreg s24  }
0xaf: {  	[dreg:$0x3] =	wrdreg $0x9  }
0xb0: {  	_ =	task.clear_ibuf [dreg:s6], $0x4FFFF;
	_ =	strace $0x90000049  }
0xb1: {  	s29 =	simm.s32 $0x9;
	_ =	strace $0x8000004B  }
0xb2: {  	_ =	swait.ge [sflag:s29], $0x1  }
0xb3: {  	[sflag:s29] =	ssyncadd.s32 $0xFFFFFFFF  }
0xb4: {  	_ =	strace $0x9000004B  }
0xb5: {  	_ =	sfence  }
0xb6: {  	s30 =	sld [smem:$0x0];
	_ =	sdelay $0x2  }
0xb7: {  	s31 =	sshll.u32 s1, $0xD;
	s1 =	sshrl.u32 s1, $0x2  }
0xb8: {  	s3 =	sand.u32 $0x4000, s31;
	s1 =	sadd.s32 s1, s30  }
0xb9: {  	s0 =	sor.u32 s3, s0;
	s1 =	sshll.u32 s1, $0x11  }
0xba: {  	s0 =	sor.u32 s1, s0  }
0xbb: {  	s0 =	sadd.s32 $0x8F2B, s0  }
0xbc: {  	[sflag:s0] =	ssyncadd.remote.s32 $0x1  }
0xbd: {  	_ =	sfence.sel $0xFFFF  }
0xbe: {  	[dreg:$0x0] =	wrdreg $0xFFFFFFFF;
	(pc) =	sbr.abs _section_cstart, $3  }
0xbf: {  	[dreg:$0x1] =	wrdreg $0xFFFFFFFF  }
0xc0: {  	_ =	task.clear_ibuf [dreg:s6], $0x2FFFF;
	_ =	strace $0x9FFFFFFF  }
0xc1: {  	(tm) =	ssettm $0x7FFFFFFF  }
tec
execute0_lowered:
.L_overlay_start_1:
0x0: {  	(tag) =	ssettag $0x1  }
0x1: {  	s0 =	rddreg [dreg:$0x0]  }
0x2: {  	s1 =	srdreg.scid;
	s3 =	stileid.u32  }
0x3: {  	s2 =	simm.s32 $0x0;
	s19 =	simm.s32 $0x3;
	s20 =	simm.s32 $0x2  }
0x4: {  	s21 =	simm.s32 $0x4;
	s23 =	simm.s32 $0x880;
	s28 =	simm.s32 $0x2080  }
0x5: {  	s29 =	simm.s32 $0x2880;
	s30 =	simm.s32 $0x3080;
	s31 =	simm.s32 $0x3880  }
0x6: {  	s10 =	simm.s32 $0x5080;
	s11 =	simm.s32 $0x5880;
	s12 =	simm.s32 $0x6080  }
0x7: {  	s13 =	simm.s32 $0x6880;
	s14 =	simm.s32 $0x7080;
	s15 =	simm.s32 $0x7880  }
0x8: {  	s18 =	simm.s32 $0x8080;
	s16 =	simm.s32 $0x8880;
	s1 =	sand.u32 $0x1, s1  }
0x9: {  	s3 =	sshll.u32 s3, $0x8;
	[smem:$0x7FF] =	sst s2;
	s4 =	sshll.u32 s1, $0x7  }
0xa: {  	s17 =	simm.s32 $0x9080;
	_ =	strace $0x8000004A;
	s4 =	sor.u32 s4, s3  }
0xb: {  	s1 =	ssub.s32 $0x2, s1;
	s3 =	sadd.s32 $0x21800, s0;
	s5 =	sshrl.u32 s4, $0x3  }
0xc: {  	s24 =	sshrl.u32 s1, $0x1;
	s4 =	sshll.u32 s4, $0x7;
	s5 =	sadd.s32 s5, s0  }
0xd: {  	s1 =	ssub.s32 s1, s24;
	s7 =	sadd.s32 s4, s0;
	s5 =	sadd.s32 $0xE00, s5  }
0xe: {  	s24 =	simm.s32 $0x1080;
	s25 =	sadd.s32 $0x121800, s7;
	[dreg:$0x2] =	wrdreg s5  }
0xf: {  	s4 =	sadd.s32 $0x21900, s0;
	s6 =	sadd.s32 $0x122800, s7;
	[dreg:$0x3] =	wrdreg s25  }
0x10: {  	s8 =	sadd.s32 $0x123800, s7;
	s26 =	sadd.s32 $0x124800, s7;
	[dreg:$0x4] =	wrdreg s6  }
0x11: {  	v2 =	vlaneseq.u32;
	s7 =	smax.u32 s1, $0x1;
	s1 =	simm.s32 $0x4880;
	[dreg:$0x5] =	wrdreg s8  }
0x12: {  	vm0 =	vmmov $0xffff;
	v1 =	vshrl.u32 v2, $0x3;
	s5 =	sadd.s32 $0x21A00, s0;
	s6 =	sadd.s32 $0x21B00, s0;
	[dreg:$0x6] =	wrdreg s26  }
0x13: {  	v0 =	vand.u32 $0x7, v2;
	v2 =	vor.u32 $0x8, v2;
	v1 =	vmul.u32 $0x8, v1;
	s8 =	simm.s32 $0x1;
	s25 =	simm.s32 $0x80;
	s26 =	simm.s32 $0x1880  }
.LBB2_1:
0x14: {  	s22 =	rddreg [dreg:$0x2];
	s0 =	simm.s32 $0x5  }
0x15: {  	[tilespmem:s2], [sflag:$0x5] =	stream.linear.gather [hbm4b:s22+s2], $0x80, $0x38;
	[tilespmem:$0x10080] =	vst v63  }
0x16: {  	_ =	swait.ge [sflag:s0], $0x80  }
0x17: {  	[sflag:s0] =	ssyncset.done $0x0  }
0x18: {  	[sflag:s0] =	ssyncadd.s32 $0xFFFFFF80  }
0x19: {  	v3 =	vld [tilespmem:$0x0];
	_ =	sdelay $0x4  }
0x1a: {  	v4 =	vshll.u32 v3, $0x3  }
0x1b: {  	v3 =	vand.u32 $0x7, v3;
	v4 =	vand.u32 $0xFFFFFFC0, v4  }
0x1c: {  	v3 =	vor.u32 v3, v4  }
0x1d: {  	v4 =	vperm.xlane v3, v0;
	_ =	sdelay $0x1  }
0x1e: {  	v4 =	vadd.s32 v1, v4;
	_ =	sdelay $0x4  }
0x1f: {  	[tilespmem:s25], [sflag:$0x1] =	stream.indirect_vreg.gather [hbm4b:s3+s2], $0x80, v4, vm0, $0xb8;
	[tilespmem:$0x10080] =	vst v63  }
0x20: {  	v3 =	vperm.xlane v3, v2  }
0x21: {  	[tilespmem:s23], [sflag:$0x1] =	stream.indirect_vreg.gather [hbm4b:s4+s2], $0x80, v4, vm0, $0xb8;
	[tilespmem:$0x10080] =	vst v63  }
0x22: {  	v3 =	vadd.s32 v1, v3  }
0x23: {  	[tilespmem:s24], [sflag:$0x1] =	stream.indirect_vreg.gather [hbm4b:s5+s2], $0x80, v4, vm0, $0xb8;
	[tilespmem:$0x10080] =	vst v63  }
0x24: {  	_ = 	snop  }
0x25: {  	[tilespmem:s26], [sflag:$0x1] =	stream.indirect_vreg.gather [hbm4b:s6+s2], $0x80, v4, vm0, $0xb8;
	[tilespmem:$0x10080] =	vst v63  }
0x26: {  	_ = 	snop  }
0x27: {  	[tilespmem:s28], [sflag:$0x1] =	stream.indirect_vreg.gather [hbm4b:s3+s2], $0x80, v3, vm0, $0xb8;
	[tilespmem:$0x10080] =	vst v63  }
0x28: {  	_ = 	snop  }
0x29: {  	[tilespmem:s29], [sflag:$0x1] =	stream.indirect_vreg.gather [hbm4b:s4+s2], $0x80, v3, vm0, $0xb8;
	[tilespmem:$0x10080] =	vst v63  }
0x2a: {  	_ = 	snop  }
0x2b: {  	[tilespmem:s30], [sflag:$0x1] =	stream.indirect_vreg.gather [hbm4b:s5+s2], $0x80, v3, vm0, $0xb8;
	[tilespmem:$0x10080] =	vst v63  }
0x2c: {  	_ = 	snop  }
0x2d: {  	[tilespmem:s31], [sflag:$0x1] =	stream.indirect_vreg.gather [hbm4b:s6+s2], $0x80, v3, vm0, $0xb8;
	[tilespmem:$0x10080] =	vst v63  }
0x2e: {  	v3 =	vld [tilespmem:$0x10];
	_ =	sdelay $0x4  }
0x2f: {  	v57 =	vshll.u32 v3, $0x3  }
0x30: {  	v3 =	vand.u32 $0x7, v3;
	v4 =	vand.u32 $0xFFFFFFC0, v57  }
0x31: {  	v3 =	vor.u32 v3, v4  }
0x32: {  	v4 =	vperm.xlane v3, v0;
	_ =	sdelay $0x1  }
0x33: {  	v4 =	vadd.s32 v1, v4;
	_ =	sdelay $0x3  }
0x34: {  	s0 =	simm.s32 $0x4080  }
0x35: {  	[tilespmem:s0], [sflag:$0x1] =	stream.indirect_vreg.gather [hbm4b:s3+s2], $0x80, v4, vm0, $0xb8;
	[tilespmem:$0x10080] =	vst v63  }
0x36: {  	v3 =	vperm.xlane v3, v2  }
0x37: {  	[tilespmem:s1], [sflag:$0x1] =	stream.indirect_vreg.gather [hbm4b:s4+s2], $0x80, v4, vm0, $0xb8;
	[tilespmem:$0x10080] =	vst v63  }
0x38: {  	v3 =	vadd.s32 v1, v3  }
0x39: {  	[tilespmem:s10], [sflag:$0x1] =	stream.indirect_vreg.gather [hbm4b:s5+s2], $0x80, v4, vm0, $0xb8;
	[tilespmem:$0x10080] =	vst v63  }
0x3a: {  	_ = 	snop  }
0x3b: {  	[tilespmem:s11], [sflag:$0x1] =	stream.indirect_vreg.gather [hbm4b:s6+s2], $0x80, v4, vm0, $0xb8;
	[tilespmem:$0x10080] =	vst v63  }
0x3c: {  	_ = 	snop  }
0x3d: {  	[tilespmem:s12], [sflag:$0x1] =	stream.indirect_vreg.gather [hbm4b:s3+s2], $0x80, v3, vm0, $0xb8;
	[tilespmem:$0x10080] =	vst v63  }
0x3e: {  	_ = 	snop  }
0x3f: {  	[tilespmem:s13], [sflag:$0x1] =	stream.indirect_vreg.gather [hbm4b:s4+s2], $0x80, v3, vm0, $0xb8;
	[tilespmem:$0x10080] =	vst v63  }
0x40: {  	_ = 	snop  }
0x41: {  	[tilespmem:s14], [sflag:$0x1] =	stream.indirect_vreg.gather [hbm4b:s5+s2], $0x80, v3, vm0, $0xb8;
	[tilespmem:$0x10080] =	vst v63  }
0x42: {  	_ = 	snop  }
0x43: {  	[tilespmem:s15], [sflag:$0x1] =	stream.indirect_vreg.gather [hbm4b:s6+s2], $0x80, v3, vm0, $0xb8;
	[tilespmem:$0x10080] =	vst v63  }
0x44: {  	v3 =	vld [tilespmem:$0x20];
	_ =	sdelay $0x4  }
0x45: {  	v58 =	vshll.u32 v3, $0x3  }
0x46: {  	v3 =	vand.u32 $0x7, v3;
	v4 =	vand.u32 $0xFFFFFFC0, v58  }
0x47: {  	v3 =	vor.u32 v3, v4  }
0x48: {  	v4 =	vperm.xlane v3, v0;
	_ =	sdelay $0x1  }
0x49: {  	v4 =	vadd.s32 v1, v4;
	_ =	sdelay $0x4  }
0x4a: {  	[tilespmem:s18], [sflag:$0x2] =	stream.indirect_vreg.gather [hbm4b:s3+s2], $0x80, v4, vm0, $0xb8;
	[tilespmem:$0x10080] =	vst v63  }
0x4b: {  	v3 =	vperm.xlane v3, v2  }
0x4c: {  	[tilespmem:s16], [sflag:$0x2] =	stream.indirect_vreg.gather [hbm4b:s4+s2], $0x80, v4, vm0, $0xb8;
	[tilespmem:$0x10080] =	vst v63  }
0x4d: {  	v3 =	vadd.s32 v1, v3  }
0x4e: {  	[tilespmem:s17], [sflag:$0x2] =	stream.indirect_vreg.gather [hbm4b:s5+s2], $0x80, v4, vm0, $0xb8;
	[tilespmem:$0x10080] =	vst v63  }
0x4f: {  	s9 =	simm.s32 $0x9880  }
0x50: {  	[tilespmem:s9], [sflag:$0x2] =	stream.indirect_vreg.gather [hbm4b:s6+s2], $0x80, v4, vm0, $0xb8;
	[tilespmem:$0x10080] =	vst v63  }
0x51: {  	s9 =	simm.s32 $0xA080  }
0x52: {  	[tilespmem:s9], [sflag:$0x2] =	stream.indirect_vreg.gather [hbm4b:s3+s2], $0x80, v3, vm0, $0xb8;
	[tilespmem:$0x10080] =	vst v63  }
0x53: {  	s22 =	simm.s32 $0xA880  }
0x54: {  	[tilespmem:s22], [sflag:$0x2] =	stream.indirect_vreg.gather [hbm4b:s4+s2], $0x80, v3, vm0, $0xb8;
	[tilespmem:$0x10080] =	vst v63  }
0x55: {  	s22 =	simm.s32 $0xB080  }
0x56: {  	[tilespmem:s22], [sflag:$0x2] =	stream.indirect_vreg.gather [hbm4b:s5+s2], $0x80, v3, vm0, $0xb8;
	[tilespmem:$0x10080] =	vst v63  }
0x57: {  	s22 =	simm.s32 $0xB880  }
0x58: {  	[tilespmem:s22], [sflag:$0x2] =	stream.indirect_vreg.gather [hbm4b:s6+s2], $0x80, v3, vm0, $0xb8;
	[tilespmem:$0x10080] =	vst v63  }
0x59: {  	v3 =	vld [tilespmem:$0x30];
	_ =	sdelay $0x4  }
0x5a: {  	v59 =	vshll.u32 v3, $0x3  }
0x5b: {  	v3 =	vand.u32 $0x7, v3;
	v4 =	vand.u32 $0xFFFFFFC0, v59  }
0x5c: {  	v3 =	vor.u32 v3, v4  }
0x5d: {  	v4 =	vperm.xlane v3, v0;
	_ =	sdelay $0x1  }
0x5e: {  	v4 =	vadd.s32 v1, v4;
	_ =	sdelay $0x3  }
0x5f: {  	s22 =	simm.s32 $0xC080  }
0x60: {  	[tilespmem:s22], [sflag:$0x2] =	stream.indirect_vreg.gather [hbm4b:s3+s2], $0x80, v4, vm0, $0xb8;
	[tilespmem:$0x10080] =	vst v63  }
0x61: {  	v3 =	vperm.xlane v3, v2;
	s22 =	simm.s32 $0xC880  }
0x62: {  	[tilespmem:s22], [sflag:$0x2] =	stream.indirect_vreg.gather [hbm4b:s4+s2], $0x80, v4, vm0, $0xb8;
	[tilespmem:$0x10080] =	vst v63  }
0x63: {  	v3 =	vadd.s32 v1, v3;
	s22 =	simm.s32 $0xD080  }
0x64: {  	[tilespmem:s22], [sflag:$0x2] =	stream.indirect_vreg.gather [hbm4b:s5+s2], $0x80, v4, vm0, $0xb8;
	[tilespmem:$0x10080] =	vst v63  }
0x65: {  	s22 =	simm.s32 $0xD880  }
0x66: {  	[tilespmem:s22], [sflag:$0x2] =	stream.indirect_vreg.gather [hbm4b:s6+s2], $0x80, v4, vm0, $0xb8;
	[tilespmem:$0x10080] =	vst v63  }
0x67: {  	s22 =	simm.s32 $0xE080  }
0x68: {  	[tilespmem:s22], [sflag:$0x2] =	stream.indirect_vreg.gather [hbm4b:s3+s2], $0x80, v3, vm0, $0xb8;
	[tilespmem:$0x10080] =	vst v63  }
0x69: {  	s22 =	simm.s32 $0xE880  }
0x6a: {  	[tilespmem:s22], [sflag:$0x2] =	stream.indirect_vreg.gather [hbm4b:s4+s2], $0x80, v3, vm0, $0xb8;
	[tilespmem:$0x10080] =	vst v63  }
0x6b: {  	s22 =	simm.s32 $0xF080  }
0x6c: {  	[tilespmem:s22], [sflag:$0x2] =	stream.indirect_vreg.gather [hbm4b:s5+s2], $0x80, v3, vm0, $0xb8;
	[tilespmem:$0x10080] =	vst v63  }
0x6d: {  	s22 =	simm.s32 $0xF880  }
0x6e: {  	[tilespmem:s22], [sflag:$0x2] =	stream.indirect_vreg.gather [hbm4b:s6+s2], $0x80, v3, vm0, $0xb8;
	[tilespmem:$0x10080] =	vst v63  }
0x6f: {  	_ =	swait.ge [sflag:s8], $0x8000  }
0x70: {  	[sflag:s8] =	ssyncset.done $0x0  }
0x71: {  	s22 =	rddreg [dreg:$0x3];
	[sflag:s8] =	ssyncadd.s32 $0xFFFF8000  }
0x72: {  	[hbm4b:s22+s2] =	stream.linear.scatter [tilespmem:s25], [sflag:$0x3], $0x8000, $0x38;
	[tilespmem:$0x10080] =	vst v63  }
0x73: {  	_ =	swait.ge [sflag:s19], $0x8000  }
0x74: {  	[sflag:s19] =	ssyncset.done $0x0  }
0x75: {  	[sflag:s19] =	ssyncadd.s32 $0xFFFF8000  }
0x76: {  	v3 =	vld [tilespmem:$0x40];
	_ =	sdelay $0x4  }
0x77: {  	v60 =	vshll.u32 v3, $0x3  }
0x78: {  	v3 =	vand.u32 $0x7, v3;
	v4 =	vand.u32 $0xFFFFFFC0, v60  }
0x79: {  	v3 =	vor.u32 v3, v4  }
0x7a: {  	v4 =	vperm.xlane v3, v0;
	_ =	sdelay $0x1  }
0x7b: {  	v4 =	vadd.s32 v1, v4;
	_ =	sdelay $0x4  }
0x7c: {  	[tilespmem:s25], [sflag:$0x1] =	stream.indirect_vreg.gather [hbm4b:s3+s2], $0x80, v4, vm0, $0xb8;
	[tilespmem:$0x10080] =	vst v63  }
0x7d: {  	v3 =	vperm.xlane v3, v2  }
0x7e: {  	[tilespmem:s23], [sflag:$0x1] =	stream.indirect_vreg.gather [hbm4b:s4+s2], $0x80, v4, vm0, $0xb8;
	[tilespmem:$0x10080] =	vst v63  }
0x7f: {  	v3 =	vadd.s32 v1, v3  }
0x80: {  	[tilespmem:s24], [sflag:$0x1] =	stream.indirect_vreg.gather [hbm4b:s5+s2], $0x80, v4, vm0, $0xb8;
	[tilespmem:$0x10080] =	vst v63  }
0x81: {  	_ = 	snop  }
0x82: {  	[tilespmem:s26], [sflag:$0x1] =	stream.indirect_vreg.gather [hbm4b:s6+s2], $0x80, v4, vm0, $0xb8;
	[tilespmem:$0x10080] =	vst v63  }
0x83: {  	_ = 	snop  }
0x84: {  	[tilespmem:s28], [sflag:$0x1] =	stream.indirect_vreg.gather [hbm4b:s3+s2], $0x80, v3, vm0, $0xb8;
	[tilespmem:$0x10080] =	vst v63  }
0x85: {  	_ = 	snop  }
0x86: {  	[tilespmem:s29], [sflag:$0x1] =	stream.indirect_vreg.gather [hbm4b:s4+s2], $0x80, v3, vm0, $0xb8;
	[tilespmem:$0x10080] =	vst v63  }
0x87: {  	_ = 	snop  }
0x88: {  	[tilespmem:s30], [sflag:$0x1] =	stream.indirect_vreg.gather [hbm4b:s5+s2], $0x80, v3, vm0, $0xb8;
	[tilespmem:$0x10080] =	vst v63  }
0x89: {  	_ = 	snop  }
0x8a: {  	[tilespmem:s31], [sflag:$0x1] =	stream.indirect_vreg.gather [hbm4b:s6+s2], $0x80, v3, vm0, $0xb8;
	[tilespmem:$0x10080] =	vst v63  }
0x8b: {  	v3 =	vld [tilespmem:$0x50];
	_ =	sdelay $0x4  }
0x8c: {  	v61 =	vshll.u32 v3, $0x3  }
0x8d: {  	v3 =	vand.u32 $0x7, v3;
	v4 =	vand.u32 $0xFFFFFFC0, v61  }
0x8e: {  	v3 =	vor.u32 v3, v4  }
0x8f: {  	v4 =	vperm.xlane v3, v0;
	_ =	sdelay $0x1  }
0x90: {  	v4 =	vadd.s32 v1, v4;
	_ =	sdelay $0x4  }
0x91: {  	[tilespmem:s0], [sflag:$0x1] =	stream.indirect_vreg.gather [hbm4b:s3+s2], $0x80, v4, vm0, $0xb8;
	[tilespmem:$0x10080] =	vst v63  }
0x92: {  	v3 =	vperm.xlane v3, v2  }
0x93: {  	[tilespmem:s1], [sflag:$0x1] =	stream.indirect_vreg.gather [hbm4b:s4+s2], $0x80, v4, vm0, $0xb8;
	[tilespmem:$0x10080] =	vst v63  }
0x94: {  	v3 =	vadd.s32 v1, v3  }
0x95: {  	[tilespmem:s10], [sflag:$0x1] =	stream.indirect_vreg.gather [hbm4b:s5+s2], $0x80, v4, vm0, $0xb8;
	[tilespmem:$0x10080] =	vst v63  }
0x96: {  	_ = 	snop  }
0x97: {  	[tilespmem:s11], [sflag:$0x1] =	stream.indirect_vreg.gather [hbm4b:s6+s2], $0x80, v4, vm0, $0xb8;
	[tilespmem:$0x10080] =	vst v63  }
0x98: {  	_ = 	snop  }
0x99: {  	[tilespmem:s12], [sflag:$0x1] =	stream.indirect_vreg.gather [hbm4b:s3+s2], $0x80, v3, vm0, $0xb8;
	[tilespmem:$0x10080] =	vst v63  }
0x9a: {  	_ = 	snop  }
0x9b: {  	[tilespmem:s13], [sflag:$0x1] =	stream.indirect_vreg.gather [hbm4b:s4+s2], $0x80, v3, vm0, $0xb8;
	[tilespmem:$0x10080] =	vst v63  }
0x9c: {  	_ = 	snop  }
0x9d: {  	[tilespmem:s14], [sflag:$0x1] =	stream.indirect_vreg.gather [hbm4b:s5+s2], $0x80, v3, vm0, $0xb8;
	[tilespmem:$0x10080] =	vst v63  }
0x9e: {  	_ = 	snop  }
0x9f: {  	[tilespmem:s15], [sflag:$0x1] =	stream.indirect_vreg.gather [hbm4b:s6+s2], $0x80, v3, vm0, $0xb8;
	[tilespmem:$0x10080] =	vst v63  }
0xa0: {  	_ =	swait.ge [sflag:s20], $0x8000  }
0xa1: {  	[sflag:s20] =	ssyncset.done $0x0  }
0xa2: {  	s0 =	rddreg [dreg:$0x4];
	[sflag:s20] =	ssyncadd.s32 $0xFFFF8000  }
0xa3: {  	[hbm4b:s0+s2] =	stream.linear.scatter [tilespmem:s18], [sflag:$0x4], $0x8000, $0x38;
	[tilespmem:$0x10080] =	vst v63  }
0xa4: {  	_ =	swait.ge [sflag:s21], $0x8000  }
0xa5: {  	[sflag:s21] =	ssyncset.done $0x0  }
0xa6: {  	[sflag:s21] =	ssyncadd.s32 $0xFFFF8000  }
0xa7: {  	v3 =	vld [tilespmem:$0x60];
	_ =	sdelay $0x4  }
0xa8: {  	v62 =	vshll.u32 v3, $0x3  }
0xa9: {  	v3 =	vand.u32 $0x7, v3;
	v4 =	vand.u32 $0xFFFFFFC0, v62  }
0xaa: {  	v3 =	vor.u32 v3, v4  }
0xab: {  	v4 =	vperm.xlane v3, v0;
	_ =	sdelay $0x1  }
0xac: {  	v4 =	vadd.s32 v1, v4;
	_ =	sdelay $0x4  }
0xad: {  	[tilespmem:s18], [sflag:$0x2] =	stream.indirect_vreg.gather [hbm4b:s3+s2], $0x80, v4, vm0, $0xb8;
	[tilespmem:$0x10080] =	vst v63  }
0xae: {  	v3 =	vperm.xlane v3, v2  }
0xaf: {  	[tilespmem:s16], [sflag:$0x2] =	stream.indirect_vreg.gather [hbm4b:s4+s2], $0x80, v4, vm0, $0xb8;
	[tilespmem:$0x10080] =	vst v63  }
0xb0: {  	v3 =	vadd.s32 v1, v3  }
0xb1: {  	[tilespmem:s17], [sflag:$0x2] =	stream.indirect_vreg.gather [hbm4b:s5+s2], $0x80, v4, vm0, $0xb8;
	[tilespmem:$0x10080] =	vst v63  }
0xb2: {  	s22 =	simm.s32 $0x9880  }
0xb3: {  	[tilespmem:s22], [sflag:$0x2] =	stream.indirect_vreg.gather [hbm4b:s6+s2], $0x80, v4, vm0, $0xb8;
	[tilespmem:$0x10080] =	vst v63  }
0xb4: {  	_ = 	snop  }
0xb5: {  	[tilespmem:s9], [sflag:$0x2] =	stream.indirect_vreg.gather [hbm4b:s3+s2], $0x80, v3, vm0, $0xb8;
	[tilespmem:$0x10080] =	vst v63  }
0xb6: {  	s22 =	simm.s32 $0xA880  }
0xb7: {  	[tilespmem:s22], [sflag:$0x2] =	stream.indirect_vreg.gather [hbm4b:s4+s2], $0x80, v3, vm0, $0xb8;
	[tilespmem:$0x10080] =	vst v63  }
0xb8: {  	s9 =	simm.s32 $0xB080  }
0xb9: {  	[tilespmem:s9], [sflag:$0x2] =	stream.indirect_vreg.gather [hbm4b:s5+s2], $0x80, v3, vm0, $0xb8;
	[tilespmem:$0x10080] =	vst v63  }
0xba: {  	s22 =	simm.s32 $0xB880  }
0xbb: {  	[tilespmem:s22], [sflag:$0x2] =	stream.indirect_vreg.gather [hbm4b:s6+s2], $0x80, v3, vm0, $0xb8;
	[tilespmem:$0x10080] =	vst v63  }
0xbc: {  	v3 =	vld [tilespmem:$0x70];
	_ =	sdelay $0x4  }
0xbd: {  	v63 =	vshll.u32 v3, $0x3  }
0xbe: {  	v3 =	vand.u32 $0x7, v3;
	v4 =	vand.u32 $0xFFFFFFC0, v63  }
0xbf: {  	v3 =	vor.u32 v3, v4  }
0xc0: {  	v4 =	vperm.xlane v3, v0;
	_ =	sdelay $0x1  }
0xc1: {  	v4 =	vadd.s32 v1, v4;
	_ =	sdelay $0x3  }
0xc2: {  	s9 =	simm.s32 $0xC080  }
0xc3: {  	[tilespmem:s9], [sflag:$0x2] =	stream.indirect_vreg.gather [hbm4b:s3+s2], $0x80, v4, vm0, $0xb8;
	[tilespmem:$0x10080] =	vst v63  }
0xc4: {  	s22 =	simm.s32 $0xC880;
	v3 =	vperm.xlane v3, v2  }
0xc5: {  	[tilespmem:s22], [sflag:$0x2] =	stream.indirect_vreg.gather [hbm4b:s4+s2], $0x80, v4, vm0, $0xb8;
	[tilespmem:$0x10080] =	vst v63  }
0xc6: {  	v3 =	vadd.s32 v1, v3;
	s9 =	simm.s32 $0xD080  }
0xc7: {  	[tilespmem:s9], [sflag:$0x2] =	stream.indirect_vreg.gather [hbm4b:s5+s2], $0x80, v4, vm0, $0xb8;
	[tilespmem:$0x10080] =	vst v63  }
0xc8: {  	s22 =	simm.s32 $0xD880  }
0xc9: {  	[tilespmem:s22], [sflag:$0x2] =	stream.indirect_vreg.gather [hbm4b:s6+s2], $0x80, v4, vm0, $0xb8;
	[tilespmem:$0x10080] =	vst v63  }
0xca: {  	s9 =	simm.s32 $0xE080  }
0xcb: {  	[tilespmem:s9], [sflag:$0x2] =	stream.indirect_vreg.gather [hbm4b:s3+s2], $0x80, v3, vm0, $0xb8;
	[tilespmem:$0x10080] =	vst v63  }
0xcc: {  	s22 =	simm.s32 $0xE880  }
0xcd: {  	[tilespmem:s22], [sflag:$0x2] =	stream.indirect_vreg.gather [hbm4b:s4+s2], $0x80, v3, vm0, $0xb8;
	[tilespmem:$0x10080] =	vst v63  }
0xce: {  	s9 =	simm.s32 $0xF080  }
0xcf: {  	[tilespmem:s9], [sflag:$0x2] =	stream.indirect_vreg.gather [hbm4b:s5+s2], $0x80, v3, vm0, $0xb8;
	[tilespmem:$0x10080] =	vst v63  }
0xd0: {  	s22 =	simm.s32 $0xF880  }
0xd1: {  	[tilespmem:s22], [sflag:$0x2] =	stream.indirect_vreg.gather [hbm4b:s6+s2], $0x80, v3, vm0, $0xb8;
	[tilespmem:$0x10080] =	vst v63  }
0xd2: {  	_ =	swait.ge [sflag:s8], $0x8000  }
0xd3: {  	[sflag:s8] =	ssyncset.done $0x0  }
0xd4: {  	s0 =	rddreg [dreg:$0x5];
	[sflag:s8] =	ssyncadd.s32 $0xFFFF8000  }
0xd5: {  	[hbm4b:s0+s2] =	stream.linear.scatter [tilespmem:s25], [sflag:$0x3], $0x8000, $0x38;
	[tilespmem:$0x10080] =	vst v63  }
0xd6: {  	_ =	swait.ge [sflag:s20], $0x8000  }
0xd7: {  	[sflag:s20] =	ssyncset.done $0x0  }
0xd8: {  	s9 =	rddreg [dreg:$0x6];
	[sflag:s20] =	ssyncadd.s32 $0xFFFF8000  }
0xd9: {  	[hbm4b:s9+s2] =	stream.linear.scatter [tilespmem:s18], [sflag:$0x4], $0x8000, $0x38;
	[tilespmem:$0x10080] =	vst v63  }
0xda: {  	p0 =	sne.s32 s7, $0x1;
	_ =	swait.ge [sflag:s19], $0x8000  }
.Ltmp0:
0xdb: {  	[sflag:s19] =	ssyncset.done $0x0;
	(pc) =	sbr.rel @p0 .LBB2_1-.Ltmp0, $4  }
0xdc: {  	[sflag:s19] =	ssyncadd.s32 $0xFFFF8000  }
0xdd: {  	_ =	swait.ge [sflag:s21], $0x8000  }
0xde: {  	[sflag:s21] =	ssyncset.done $0x0  }
0xdf: {  	s7 =	sadd.s32 $0xFFFFFFFF, s7;
	[sflag:s21] =	ssyncadd.s32 $0xFFFF8000  }
0xe0: {  	_ =	sfence.sel $0x180000  }
0xe1: {  	[bflag:$0x0] =	sbarrier.arrive $0xFFFF  }
0xe2: {  	_ =	strace $0x9000004A  }
0xe3: {  	s0 =	stileid.u32;
	[bflag:$0x2] =	sbarrier.arrive $0xFFFF  }
0xe4: {  	p0 =	sne.s32 s0, $0x0;
	s0 =	rddreg [dreg:$0x1]  }
0xe5: {  	s0 =	sadd.s32 @!p0 $0x100000, s0  }
0xe6: {  	[sflag:s0] =	ssyncadd.tile.s32 @!p0 $0x1;
	_ =	shalt  }
.Lfunc_end2:
_tile_overlayer_lowered:
.L_overlay_start_2:
0xe7: {  	(tag) =	ssettag $0x2  }
0xe8: {  	s0 =	rddreg [dreg:$0x0];
	s2 =	stileid.u32  }
0xe9: {  	s1 =	rddreg [dreg:$0x1];
	p0 =	sne.s32 s2, $0x0  }
0xea: {  	s3 =	rddreg [dreg:$0x2];
	[bflag:$0x3] =	sbarrier.arrive $0xFFFF;
	s2 =	simm.s32 @!p0 $0x1C05  }
0xeb: {  	[timem:s3], [sflag:s2] =	dma.local @!p0 [hbm:s0], s1  }
0xec: {  	s0 =	simm.s32 @!p0 $0x5  }
0xed: {  	_ =	swait.ge @!p0 [sflag:s0], s1  }
0xee: {  	s1 =	ssub.s32 @!p0 $0x0, s1;
	[sflag:s0] =	ssyncset.done @!p0 $0x0  }
0xef: {  	[sflag:s0] =	ssyncadd.s32 @!p0 s1  }
0xf0: {  	[bflag:$0x3] =	sbarrier.arrive $0xFFFF  }
0xf1: {  	_ =	shalt  }

// kernel: kernel.7.cloned.1.call-start
scs
__scs_entry_jumppad:
0x0: {  	(pc) =	sbr.rel $0x88, $3  }
0x1: {  	(tag) =	ssettag $0x0;
	lr =	simm.s32 $0x1  }
0x2: {  	[smem:$0x3F9C] =	sst lr;
	_ =	strace $0xD0000000  }
0x3: {  	_ = 	snop  }
0x4: {  	_ = 	snop  }
0x5: {  	_ = 	snop  }
0x6: {  	_ = 	snop  }
0x7: {  	_ = 	snop  }
__scs_overlays_trampoline_lowered:
0x8: {  	[smem:$0x3FAB] =	sst s0  }
0x9: {  	[smem:$0x3FAC] =	sst s1  }
0xa: {  	[smem:$0x3FAD] =	sst s2  }
0xb: {  	[smem:$0x3FAE] =	sst s3  }
0xc: {  	[smem:$0x3FAF] =	sst s4  }
0xd: {  	[smem:$0x3FB0] =	sst s5  }
0xe: {  	[smem:$0x3FB1] =	sst s6  }
0xf: {  	[smem:$0x3FB2] =	sst s7  }
0x10: {  	[smem:$0x3FB3] =	sst s8  }
0x11: {  	[smem:$0x3FB4] =	sst s9;
	s0 =	simm.s32 @!p0 $0x0  }
0x12: {  	s1 =	sld [smem:$0x3F9A];
	s0 =	simm.s32 @p0 $0x1  }
0x13: {  	[smem:$0x3FB5] =	sst s0;
	s0 =	simm.s32 @!p1 $0x0  }
0x14: {  	s2 =	sld [smem:$0x3F99];
	s0 =	simm.s32 @p1 $0x1  }
0x15: {  	[smem:$0x3FB6] =	sst s0;
	s0 =	simm.s32 @!p2 $0x0  }
0x16: {  	s3 =	sld [smem:$0x3FDB];
	s0 =	simm.s32 @p2 $0x1  }
0x17: {  	s4 =	simm.s32 $0x1BF5;
	[smem:$0x3FB8] =	sst s0  }
0x18: {  	s0 =	sld [smem:$0x3F9B];
	_ =	swait.ge [sflag:s4], $0x0  }
0x19: {  	s7 =	sld [smem:$0x3F9C]  }
0x1a: {  	s8 =	sadd.s32 $0xFFFFE003, lr  }
0x1b: {  	s9 =	sadd.s32 $0xFFFFFEF7, lr;
	s5 =	simm.s32 $0xFFFFFFFF;
	p2 =	slt.u32 s8, $0xFFFFF086  }
0x1c: {  	p1 =	slt.u32 s9, $0xF7A;
	s5 =	simm.s32 @!p2 $0x0  }
0x1d: {  	s5 =	simm.s32 @p1 $0x1;
	p0 =	seq.s32 s7, s2  }
0x1e: {  	s7 =	smul.u32 @!p0 $0xF7A, s2;
	p2 =	seq.s32 @!p0 s5, $0x0  }
0x1f: {  	s9 =	smul.u32 $0xF7A, s1;
	s8 =	simm.s32 @!p0 $0x1BF5;
	p2 =	por !p2, p0  }
0x20: {  	[sflag:s8] =	ssyncset.s32 @!p0 $0xFFFFF086;
	s6 =	sadd.s32 @!p0 s3, s7;
	s7 =	simm.s32 @!p0 $0x108  }
0x21: {  	s3 =	sadd.s32 s3, s9;
	s6 =	sadd.s32 @!p0 $0x88, s6;
	s7 =	simm.s32 @p2 $0x1082  }
0x22: {  	[simem:s7], [sflag:s8] =	dma.local @!p0 [hbm:s6], $0xF7A  }
0x23: {  	s9 =	sor.u32 $0xD0000000, s2;
	s6 =	simm.s32 $0x108;
	_ =	swait.ge @!p0 [sflag:s8], $0x0  }
0x24: {  	s3 =	sadd.s32 $0x88, s3;
	s6 =	simm.s32 @!p1 $0x1082;
	[sflag:s4] =	ssyncset.s32 $0xFFFFF086  }
0x25: {  	[simem:s6], [sflag:s4] =	dma.local [hbm:s3], $0xF7A  }
0x26: {  	[smem:$0x3F9C] =	sst s1;
	(tag) =	ssettag s2;
	_ =	strace s9  }
0x27: {  	s1 =	sld [smem:$0x3FAC]  }
0x28: {  	s2 =	sld [smem:$0x3FAD]  }
0x29: {  	s4 =	sld [smem:$0x3FAF]  }
0x2a: {  	p0 =	seq.s32 s5, $0x0;
	s5 =	sld [smem:$0x3FB0]  }
0x2b: {  	s6 =	sld [smem:$0x3FB1]  }
0x2c: {  	s7 =	sld [smem:$0x3FB2]  }
0x2d: {  	s3 =	simm.s32 $0x108;
	s8 =	sld [smem:$0x3FB3]  }
0x2e: {  	s3 =	simm.s32 @!p0 $0x1082;
	s9 =	sld [smem:$0x3FB4]  }
0x2f: {  	lr =	sadd.s32 s0, s3;
	s0 =	sld [smem:$0x3FAB]  }
0x30: {  	s3 =	sld [smem:$0x3FAE]  }
0x31: {  	[smem:$0x3FB7] =	sst s10  }
0x32: {  	s10 =	sld [smem:$0x3FB5];
	_ =	sdelay $0x3  }
0x33: {  	p0 =	seq.s32 s10, $0x1;
	s10 =	sld [smem:$0x3FB7];
	_ =	sdelay $0x3  }
0x34: {  	[smem:$0x3FB7] =	sst s10  }
0x35: {  	s10 =	sld [smem:$0x3FB6];
	_ =	sdelay $0x3  }
0x36: {  	p1 =	seq.s32 s10, $0x1;
	s10 =	sld [smem:$0x3FB7];
	_ =	sdelay $0x3  }
0x37: {  	[smem:$0x3FB7] =	sst s10  }
0x38: {  	s10 =	sld [smem:$0x3FB8]  }
0x39: {  	_ = 	snop;
	(pc) =	sbr.ind lr, $3  }
0x3a: {  	_ = 	snop  }
0x3b: {  	_ = 	snop  }
0x3c: {  	p2 =	seq.s32 s10, $0x1;
	s10 =	sld [smem:$0x3FB7]  }
0x3d: {  	_ =	shalt  }
0x3e: {  	_ =	shalt  }
0x3f: {  	_ =	shalt  }
0x40: {  	_ =	shalt  }
0x41: {  	_ =	shalt  }
0x42: {  	_ =	shalt  }
0x43: {  	_ =	shalt  }
0x44: {  	_ =	shalt  }
0x45: {  	_ =	shalt  }
0x46: {  	_ =	shalt  }
0x47: {  	_ =	shalt  }
0x48: {  	_ =	shalt  }
0x49: {  	_ =	shalt  }
0x4a: {  	_ =	shalt  }
0x4b: {  	_ =	shalt  }
0x4c: {  	_ =	shalt  }
0x4d: {  	_ =	shalt  }
0x4e: {  	_ =	shalt  }
0x4f: {  	_ =	shalt  }
0x50: {  	_ =	shalt  }
0x51: {  	_ =	shalt  }
0x52: {  	_ =	shalt  }
0x53: {  	_ =	shalt  }
0x54: {  	_ =	shalt  }
0x55: {  	_ =	shalt  }
0x56: {  	_ =	shalt  }
0x57: {  	_ =	shalt  }
0x58: {  	_ =	shalt  }
0x59: {  	_ =	shalt  }
0x5a: {  	_ =	shalt  }
0x5b: {  	_ =	shalt  }
0x5c: {  	_ =	shalt  }
0x5d: {  	_ =	shalt  }
0x5e: {  	_ =	shalt  }
0x5f: {  	_ =	shalt  }
0x60: {  	_ =	shalt  }
0x61: {  	_ =	shalt  }
0x62: {  	_ =	shalt  }
0x63: {  	_ =	shalt  }
0x64: {  	_ =	shalt  }
0x65: {  	_ =	shalt  }
0x66: {  	_ =	shalt  }
0x67: {  	_ =	shalt  }
0x68: {  	_ =	shalt  }
0x69: {  	_ =	shalt  }
0x6a: {  	_ =	shalt  }
0x6b: {  	_ =	shalt  }
0x6c: {  	_ =	shalt  }
0x6d: {  	_ =	shalt  }
0x6e: {  	_ =	shalt  }
0x6f: {  	_ =	shalt  }
0x70: {  	_ =	shalt  }
0x71: {  	_ =	shalt  }
0x72: {  	_ =	shalt  }
0x73: {  	_ =	shalt  }
0x74: {  	_ =	shalt  }
0x75: {  	_ =	shalt  }
0x76: {  	_ =	shalt  }
0x77: {  	_ =	shalt  }
0x78: {  	_ =	shalt  }
0x79: {  	_ =	shalt  }
0x7a: {  	_ =	shalt  }
0x7b: {  	_ =	shalt  }
0x7c: {  	_ =	shalt  }
0x7d: {  	_ =	shalt  }
0x7e: {  	_ =	shalt  }
0x7f: {  	_ =	shalt  }
0x80: {  	_ =	shalt  }
0x81: {  	_ =	shalt  }
0x82: {  	_ =	shalt  }
0x83: {  	_ =	shalt  }
0x84: {  	_ =	shalt  }
0x85: {  	_ =	shalt  }
0x86: {  	_ =	shalt  }
0x87: {  	_ =	shalt  }
.Lfunc_end0:
.L_simem_size_0:
called_computation_lowered:
.L_overlay_start_0:
0x88: {  	s2 =	sld [smem:$0x3FD9]  }
0x89: {  	s3 =	sld [smem:$0x3FFE];
	_ =	sdelay $0x1  }
0x8a: {  	s1 =	srdreg.scid  }
0x8b: {  	s0 =	sand.u32 $0x1, s1  }
0x8c: {  	s17 =	sshll.u32 s0, $0xA;
	s2 =	sadd.s32 s3, s2  }
0x8d: {  	s2 =	sadd.s32 s2, s17  }
0x8e: {  	[smem:$0x3FC3] =	sst s2  }
0x8f: {  	_ = 	snop  }
0x90: {  	s2 =	sld [smem:$0x3FD0];
	(tm) =	ssettm $0x1  }
0x91: {  	s18 =	sld [smem:$0x3FFB];
	_ =	sdelay $0x3  }
0x92: {  	_ =	strace s18  }
0x93: {  	s3 =	sld [smem:$0x3FFC];
	_ =	sdelay $0x3  }
0x94: {  	_ =	strace s3  }
0x95: {  	s3 =	sld [smem:$0x3FFD];
	_ =	sdelay $0x3  }
0x96: {  	_ =	strace s3  }
0x97: {  	_ =	strace $0x8FFFFFFF  }
0x98: {  	s19 =	sld [smem:$0x3FDB];
	_ =	sdelay $0x1  }
0x99: {  	s4 =	simm.s32 $_scs_section_size  }
0x9a: {  	s5 =	simm.s32 $_size__tile_overlayer_lowered;
	s6 =	simm.s32 $_tile_overlayer_lowered  }
0x9b: {  	s22 =	simm.s32 $0x1BFF;
	s21 =	sshll.u32 s6, $0x1;
	s3 =	sadd.s32 s4, s19  }
0x9c: {  	s7 =	simm.s32 $0x0;
	s20 =	sshll.u32 s5, $0x1;
	s5 =	sadd.s32 s21, s3  }
0x9d: {  	[timem:s7], [sflag:s22] =	dma.local [hbm:s5], s20  }
0x9e: {  	_ =	swait.ge [sflag:s22], s20  }
0x9f: {  	s4 =	ssub.s32 $0x0, s20;
	[sflag:s22] =	ssyncset.done $0x0  }
0xa0: {  	[sflag:s22] =	ssyncadd.s32 s4;
	_ =	sdelay $0x1  }
0xa1: {  	s23 =	simm.s32 $0x1B8B  }
0xa2: {  	_ =	swait.ge [sflag:s23], $0x1  }
0xa3: {  	[sflag:s23] =	ssyncset.done $0x0  }
0xa4: {  	s25 =	simm.s32 $0x1B8E;
	s24 =	sld [smem:$0x3FFE];
	[sflag:s23] =	ssyncadd.s32 $0xFFFFFFFF  }
0xa5: {  	s26 =	simm.s32 $execute0_lowered;
	[smem:$0x3FD2] =	sst s25  }
0xa6: {  	s5 =	sshll.u32 s26, $0x1;
	_ =	strace $0x80000046;
	[dreg:$0x1] =	wrdreg $0xFFFFFFFF  }
0xa7: {  	s28 =	simm.s32 $_size_execute0_lowered;
	s3 =	sadd.s32 s3, s5;
	[dreg:$0x0] =	wrdreg $0x0  }
0xa8: {  	s5 =	sshll.u32 s28, $0x1;
	[dreg:$0x2] =	wrdreg s3  }
0xa9: {  	[dreg:$0x3] =	wrdreg s5  }
0xaa: {  	[dreg:$0x4] =	wrdreg $0xC0  }
0xab: {  	_ =	task [dreg:s7], $0x5FFFF  }
0xac: {  	[dreg:$0x1] =	wrdreg $0xFFFFFFFF  }
0xad: {  	[dreg:$0x0] =	wrdreg $0x60  }
0xae: {  	[dreg:$0x2] =	wrdreg s24  }
0xaf: {  	[dreg:$0x3] =	wrdreg s2  }
0xb0: {  	[dreg:$0x4] =	wrdreg $0x9  }
0xb1: {  	_ =	task.clear_ibuf [dreg:s7], $0x5FFFF;
	_ =	strace $0x90000046  }
0xb2: {  	s29 =	simm.s32 $0x9;
	_ =	strace $0x80000048  }
0xb3: {  	_ =	swait.ge [sflag:s29], $0x1  }
0xb4: {  	[sflag:s29] =	ssyncadd.s32 $0xFFFFFFFF  }
0xb5: {  	_ =	strace $0x90000048  }
0xb6: {  	_ =	sfence  }
0xb7: {  	s30 =	sld [smem:$0x0];
	_ =	sdelay $0x2  }
0xb8: {  	s31 =	sshll.u32 s1, $0xD;
	s1 =	sshrl.u32 s1, $0x2  }
0xb9: {  	s3 =	sand.u32 $0x4000, s31;
	s1 =	sadd.s32 s1, s30  }
0xba: {  	s0 =	sor.u32 s3, s0;
	s1 =	sshll.u32 s1, $0x11  }
0xbb: {  	s0 =	sor.u32 s1, s0  }
0xbc: {  	s0 =	sadd.s32 $0x8F2B, s0  }
0xbd: {  	[sflag:s0] =	ssyncadd.remote.s32 $0x1  }
0xbe: {  	_ =	sfence.sel $0xFFFF  }
0xbf: {  	[dreg:$0x0] =	wrdreg $0xFFFFFFFF;
	(pc) =	sbr.abs _section_cstart, $3  }
0xc0: {  	[dreg:$0x1] =	wrdreg $0xFFFFFFFF  }
0xc1: {  	_ =	task.clear_ibuf [dreg:s7], $0x2FFFF;
	_ =	strace $0x9FFFFFFF  }
0xc2: {  	(tm) =	ssettm $0x7FFFFFFF  }
0xc3: {  	_ =	shalt  }
tec
execute0_lowered:
.L_overlay_start_1:
0x0: {  	(tag) =	ssettag $0x1  }
0x1: {  	s0 =	srdreg.scid  }
0x2: {  	s3 =	sand.u32 $0x1, s0;
	s0 =	stileid.u32  }
0x3: {  	s4 =	sor.u32 s0, s3  }
0x4: {  	p0 =	sne.s32 s4, $0x0  }
.Ltmp0:
0x5: {  	_ = 	snop;
	(pc) =	sbr.rel @p0 .LBB2_7-.Ltmp0, $4  }
0x6: {  	_ = 	snop  }
0x7: {  	s5 =	rddreg [dreg:$0x0]  }
0x8: {  	s2 =	rddreg [dreg:$0x1]  }
0x9: {  	s1 =	rddreg [dreg:$0x2];
	_ =	strace $0x80000047  }
0xa: {  	s6 =	ssub.s32 $0x2, s3;
	s3 =	sadd.s32 $0xE00, s5;
	s4 =	sadd.s32 $0x1000, s5  }
0xb: {  	s5 =	sadd.s32 $0x1200, s5;
	s8 =	simm.s32 $0x1;
	s9 =	simm.s32 $0x1000  }
0xc: {  	v2 =	vlaneseq.u32;
	s10 =	simm.s32 $0x2000;
	s11 =	simm.s32 $0x4000;
	s7 =	sshrl.u32 s6, $0x1  }
0xd: {  	v0 =	vimm.s32 $0x0;
	v1 =	vimm.f32 $0.0e+00;
	s12 =	simm.s32 $0x0;
	v2 =	vshrl.u32 v2, $0x1;
	s6 =	ssub.s32 s6, s7;
	s7 =	simm.s32 $0x0  }
.LBB2_2:
0xe: {  	[tilespmem:s7], [sflag:$0x1] =	stream.linear.gather [hbm4b:s3+s7], $0x1000, $0x38;
	[tilespmem:$0x6000] =	vst v63  }
0xf: {  	_ =	swait.ge [sflag:s8], $0x1000  }
0x10: {  	[sflag:s8] =	ssyncset.done $0x0  }
0x11: {  	[sflag:s8] =	ssyncadd.s32 $0xFFFFF000  }
0x12: {  	[tilespmem:s9], [sflag:$0x1] =	stream.linear.gather [hbm4b:s4+s7], $0x1000, $0x38;
	[tilespmem:$0x6000] =	vst v63  }
0x13: {  	_ =	swait.ge [sflag:s8], $0x1000  }
0x14: {  	[sflag:s8] =	ssyncset.done $0x0  }
0x15: {  	s13 =	simm.s32 $0x0;
	[sflag:s8] =	ssyncadd.s32 $0xFFFFF000  }
.LBB2_3:
0x16: {  	p0 =	sne.s32 s13, $0x7FC0  }
.Ltmp1:
0x17: {  	_ = 	snop;
	(pc) =	sbr.rel @p0 .LBB2_3-.Ltmp1, $4  }
0x18: {  	_ = 	snop  }
0x19: {  	s14 =	sshra.s32 s13, $0x2  }
0x1a: {  	[tilespmem:s14+$0x2000] =	vst v0  }
0x1b: {  	s13 =	sadd.s32 $0x40, s13;
	[tilespmem:s14+$0x4000] =	vst v1  }
0x1c: {  	s13 =	simm.s32 $0x0  }
0x1d: {  	v3 =	vld [tilespmem:s13+$0x0];
	_ =	sdelay $0x7  }
0x1e: {  	[tilespmem:v3+s10+$0x0] =	vst.idx.msk $0xffff, v2  }
0x1f: {  	v4 =	vld [tilespmem:s13+$0x1000];
	_ =	sdelay $0x4  }
0x20: {  	s14 =	simm.s32 $0x10;
	s13 =	simm.s32 $0x80;
	[tilespmem:v3+s11+$0x0] =	vst.idx.msk $0xffff, v4;
	v3 =	vmov v2  }
.LBB2_5:
0x21: {  	p0 =	sne.s32 s13, $0x3FC0;
	v4 =	vld [tilespmem:s14+$0x0];
	_ =	sdelay $0x6  }
0x22: {  	v3 =	vadd.s32 $0x8, v3  }
0x23: {  	[tilespmem:v4+s10+$0x0] =	vst.idx.msk $0xffff, v3  }
0x24: {  	v5 =	vld [tilespmem:s14+$0x1000]  }
.Ltmp2:
0x25: {  	(pc) =	sbr.rel @p0 .LBB2_5-.Ltmp2, $2  }
0x26: {  	_ =	sdelay $0x2  }
0x27: {  	s14 =	sshra.s32 s13, $0x2;
	s13 =	sadd.s32 $0x40, s13;
	[tilespmem:v4+s11+$0x0] =	vst.idx.msk $0xffff, v5  }
0x28: {  	v4 =	vld [tilespmem:s14+$0x0];
	_ =	sdelay $0x6  }
0x29: {  	v3 =	vadd.s32 $0x8, v3  }
0x2a: {  	[tilespmem:v4+s10+$0x0] =	vst.idx.msk $0xffff, v3  }
0x2b: {  	v3 =	vld [tilespmem:s14+$0x1000];
	_ =	sdelay $0x4  }
0x2c: {  	[tilespmem:v4+s11+$0x0] =	vst.idx.msk $0xffff, v3  }
0x2d: {  	[hbm4b:s5+s7] =	stream.linear.scatter [tilespmem:s10], [sflag:$0x1], $0x2000, $0x38;
	[tilespmem:$0x6000] =	vst v63  }
0x2e: {  	s12 =	sadd.s32 $0x1, s12;
	_ =	swait.ge [sflag:s8], $0x2000  }
0x2f: {  	p0 =	sne.s32 s12, s6;
	[sflag:s8] =	ssyncset.done $0x0  }
.Ltmp3:
0x30: {  	[sflag:s8] =	ssyncadd.s32 $0xFFFFE000;
	(pc) =	sbr.rel @p0 .LBB2_2-.Ltmp3, $4  }
0x31: {  	[hbm4b:s2+s7] =	stream.linear.scatter [tilespmem:s11], [sflag:$0x1], $0x2000, $0x38;
	[tilespmem:$0x6000] =	vst v63  }
0x32: {  	_ =	swait.ge [sflag:s8], $0x2000  }
0x33: {  	[sflag:s8] =	ssyncset.done $0x0  }
0x34: {  	[sflag:s8] =	ssyncadd.s32 $0xFFFFE000  }
.LBB2_7:
0x35: {  	_ =	sfence.sel $0x180000  }
0x36: {  	[bflag:$0x0] =	sbarrier.arrive $0xFFFF  }
0x37: {  	p0 =	sne.s32 s0, $0x0;
	_ =	strace $0x90000047  }
0x38: {  	s0 =	sadd.s32 @!p0 $0x100000, s1;
	[bflag:$0x2] =	sbarrier.arrive $0xFFFF  }
0x39: {  	[sflag:s0] =	ssyncadd.tile.s32 @!p0 $0x1;
	_ =	shalt  }
.Lfunc_end2:
_tile_overlayer_lowered:
.L_overlay_start_2:
0x3a: {  	(tag) =	ssettag $0x2  }
0x3b: {  	s0 =	rddreg [dreg:$0x0];
	s2 =	stileid.u32  }
0x3c: {  	s1 =	rddreg [dreg:$0x1];
	p0 =	sne.s32 s2, $0x0  }
0x3d: {  	s3 =	rddreg [dreg:$0x2];
	[bflag:$0x3] =	sbarrier.arrive $0xFFFF;
	s2 =	simm.s32 @!p0 $0x1C01  }
0x3e: {  	[timem:s3], [sflag:s2] =	dma.local @!p0 [hbm:s0], s1  }
0x3f: {  	s0 =	simm.s32 @!p0 $0x1  }
0x40: {  	_ =	swait.ge @!p0 [sflag:s0], s1  }
0x41: {  	s1 =	ssub.s32 @!p0 $0x0, s1;
	[sflag:s0] =	ssyncset.done @!p0 $0x0  }
0x42: {  	[sflag:s0] =	ssyncadd.s32 @!p0 s1  }
0x43: {  	[bflag:$0x3] =	sbarrier.arrive $0xFFFF  }
0x44: {  	_ =	shalt  }

</sc_bundles>
